<compile_context>
chip_gen: v7x
topology: tpu7x:2x2x1
jax: 0.10.2.dev20260603
libtpu: 0.0.44.dev20260713+nightly
codegen_flags: <defaults>
</compile_context>

<pallas_src>
import jax
import jax.numpy as jnp
from jax import lax
from jax.experimental import pallas as pl
from jax.experimental.pallas import tpu as pltpu
from jax.experimental.pallas import tpu_sc as plsc

N = 10000
E = 320000
D = 128
NC = 2
NS = 16
NW = NC * NS
EPT = E // NW
CH = 80
NCHUNK = EPT // CH
CTILES = 10
RPT = N // CTILES
LANES = 16
NBUF = 4
NLOOP = NCHUNK // NBUF


def _sc_agg_body(combo_hbm, feat_hbm, psum_hbm, degp_hbm,
                 cb_0, cb_1, cb_2, cb_3, idx_0, idx_1, idx_2, idx_3,
                 idd_0, idd_1, idd_2, idd_3,
                 rows_0, rows_1, rows_2, rows_3, dzbuf, ones_v,
                 shared_sum, shared_deg,
                 gsem_0, gsem_1, gsem_2, gsem_3,
                 csem_0, csem_1, csem_2, csem_3):
    c = lax.axis_index("c")
    s = lax.axis_index("s")
    wid = c * NS + s
    zero16 = jnp.zeros((LANES,), jnp.float32)
    ones16 = jnp.ones((LANES,), jnp.float32)
    cb_b = [cb_0, cb_1, cb_2, cb_3]
    idx_b = [idx_0, idx_1, idx_2, idx_3]
    idd_b = [idd_0, idd_1, idd_2, idd_3]
    rows_b = [rows_0, rows_1, rows_2, rows_3]
    gsem_b = [gsem_0, gsem_1, gsem_2, gsem_3]
    csem_b = [csem_0, csem_1, csem_2, csem_3]
    ebase = wid * EPT

    def cfire(t, b):
        pltpu.async_copy(combo_hbm.at[pl.ds(ebase + t * CH, CH)], cb_b[b],
                         csem_b[b])

    def cwait(t, b):
        pltpu.make_async_copy(combo_hbm.at[pl.ds(ebase + t * CH, CH)],
                              cb_b[b], csem_b[b]).wait()

    def unpack(b):
        for q in range(CH // LANES):
            v = cb_b[b][pl.ds(q * LANES, LANES)]
            idx_b[b][pl.ds(q * LANES, LANES)] = v & 0xFFFF
            idd_b[b][pl.ds(q * LANES, LANES)] = lax.shift_right_logical(v, 16)

    def gfire(b):
        pltpu.async_copy(feat_hbm.at[idx_b[b]], rows_b[b], gsem_b[b])

    def gwait(b):
        pltpu.make_async_copy(feat_hbm.at[idx_b[b]], rows_b[b],
                              gsem_b[b]).wait()

    def scat(b):
        pltpu.sync_copy(rows_b[b], shared_sum.at[idd_b[b]], add=True)
        pltpu.sync_copy(ones_v, shared_deg.at[idd_b[b]], add=True)

    for b in range(NBUF):
        cfire(b, b)

    def zrow(r, carry):
        for j in range(D // LANES):
            rows_0[r, pl.ds(j * LANES, LANES)] = zero16
        return carry
    lax.fori_loop(0, CH, zrow, 0)

    def zdz(i, carry):
        dzbuf[pl.ds(i * LANES, LANES)] = zero16
        return carry
    lax.fori_loop(0, RPT // LANES, zdz, 0)

    for q in range(CH // LANES):
        ones_v[pl.ds(q * LANES, LANES)] = ones16

    row0 = s * RPT

    @pl.when(s < CTILES)
    def _():
        def zshared(k, carry):
            pltpu.sync_copy(rows_0, shared_sum.at[pl.ds(row0 + k * CH, CH)])
            return carry
        lax.fori_loop(0, RPT // CH, zshared, 0)
        rem = RPT - (RPT // CH) * CH
        pltpu.sync_copy(
            rows_0.at[pl.ds(0, rem)],
            shared_sum.at[pl.ds(row0 + (RPT // CH) * CH, rem)])
        pltpu.sync_copy(dzbuf, shared_deg.at[pl.ds(row0, RPT)])

    for b in range(NBUF):
        cwait(b, b)
        unpack(b)
        gfire(b)
        cfire(b + NBUF, b)

    plsc.subcore_barrier()

    def step(i, carry):
        t0 = NBUF * i
        for b in range(NBUF):
            t = t0 + b
            gwait(b)
            scat(b)
            tn = t + NBUF

            @pl.when(tn < NCHUNK)
            def _():
                cwait(tn, b)
                unpack(b)
                gfire(b)
                tp = t + 2 * NBUF

                @pl.when(tp < NCHUNK)
                def _():
                    cfire(tp, b)
        return carry
    lax.fori_loop(0, NLOOP, step, 0)

    gwait(0)
    scat(0)

    plsc.subcore_barrier()

    @pl.when(s < CTILES)
    def _():
        def cout(k, carry):
            r = row0 + k * CH
            pltpu.sync_copy(shared_sum.at[pl.ds(r, CH)], rows_0)
            pltpu.sync_copy(rows_0, psum_hbm.at[c].at[pl.ds(r, CH)])
            return carry
        lax.fori_loop(0, RPT // CH, cout, 0)
        rem = RPT - (RPT // CH) * CH
        r_rem = row0 + (RPT // CH) * CH
        pltpu.sync_copy(shared_sum.at[pl.ds(r_rem, rem)],
                        rows_0.at[pl.ds(0, rem)])
        pltpu.sync_copy(rows_0.at[pl.ds(0, rem)],
                        psum_hbm.at[c].at[pl.ds(r_rem, rem)])
        pltpu.sync_copy(shared_deg.at[pl.ds(row0, RPT)], dzbuf)
        pltpu.sync_copy(dzbuf, degp_hbm.at[pl.ds(c * N + row0, RPT)])


@jax.jit
def _sc_agg(combo, features):
    mesh = plsc.VectorSubcoreMesh(core_axis_name="c", subcore_axis_name="s")
    f = pl.kernel(
        _sc_agg_body,
        mesh=mesh,
        out_type=[
            jax.ShapeDtypeStruct((NC, N, D), jnp.float32),
            jax.ShapeDtypeStruct((NC * N,), jnp.float32),
        ],
        scratch_types=(
            [pltpu.VMEM((CH,), jnp.int32) for _ in range(3 * NBUF)]
            + [pltpu.VMEM((CH, D), jnp.float32) for _ in range(NBUF)]
            + [
                pltpu.VMEM((RPT,), jnp.float32),
                pltpu.VMEM((CH,), jnp.float32),
                pltpu.VMEM_SHARED((N, D), jnp.float32),
                pltpu.VMEM_SHARED((N,), jnp.float32),
            ]
            + [pltpu.SemaphoreType.DMA for _ in range(2 * NBUF)]
        ),
    )
    return f(combo, features)


ROWS_BLK = 1000


def _tc_self_body(f_ref, w_ref, o_ref):
    o_ref[...] = jnp.dot(f_ref[...], w_ref[...],
                         preferred_element_type=jnp.float32)


def _tc_self(features, weight):
    return pl.pallas_call(
        _tc_self_body,
        grid=(N // ROWS_BLK,),
        in_specs=[
            pl.BlockSpec((ROWS_BLK, D), lambda i: (i, 0)),
            pl.BlockSpec((D, D), lambda i: (0, 0)),
        ],
        out_specs=pl.BlockSpec((ROWS_BLK, D), lambda i: (i, 0)),
        out_shape=jax.ShapeDtypeStruct((N, D), jnp.float32),
    )(features, weight)


def _tc_final_body(s_ref, p_ref, dp_ref, w_ref, o_ref):
    ssum = p_ref[0] + p_ref[1]
    deg = jnp.sum(dp_ref[...], axis=1)
    inv = 1.0 / jnp.maximum(deg, 1.0)
    neigh = ssum * inv[:, None]
    acc = s_ref[...] + jnp.dot(neigh, w_ref[...],
                               preferred_element_type=jnp.float32)
    o_ref[...] = jnp.maximum(acc, 0.0)


def _tc_final(selfmm, psum, degp, weight):
    return pl.pallas_call(
        _tc_final_body,
        grid=(N // ROWS_BLK,),
        in_specs=[
            pl.BlockSpec((ROWS_BLK, D), lambda i: (i, 0)),
            pl.BlockSpec((NC, ROWS_BLK, D), lambda i: (0, i, 0)),
            pl.BlockSpec((ROWS_BLK, NC), lambda i: (i, 0)),
            pl.BlockSpec((D, D), lambda i: (0, 0)),
        ],
        out_specs=pl.BlockSpec((ROWS_BLK, D), lambda i: (i, 0)),
        out_shape=jax.ShapeDtypeStruct((N, D), jnp.float32),
    )(selfmm, psum, degp, weight)


@jax.jit
def kernel(features, adj, weight):
    adj32 = adj.astype(jnp.int32)
    combo = adj32[0] | (adj32[1] << 16)
    selfmm = _tc_self(features, weight[:D])
    psum, degp = _sc_agg(combo, features)
    degp_t = degp.reshape(NC, N).T
    return _tc_final(selfmm, psum, degp_t, weight[D:])

# --- scband reference (transcript-rebuilt; emitter-appended) ---
"""Pipeline reference for scband-encoder-5557687681679 (READ-ONLY COPY).

The authoritative reference and input builder live on the scoring server;
editing this copy changes nothing except your own understanding.
"""

import jax, jax.numpy as jnp
import numpy as np

N_NODES = 10000
N_EDGES = 320000
D_FEAT = 128
EMBED_DIM = 128


def setup_inputs(seed: int = 0) -> dict:
    key = jax.random.key(seed)
    k1, k2, k3 = jax.random.split(key, 3)
    features = jax.random.normal(k1, (N_NODES, D_FEAT), dtype=jnp.float32)
    adj = jax.random.randint(k2, (2, N_EDGES), 0, N_NODES, dtype=jnp.int64)
    # xavier-uniform init for weight [2*feat_dim, embed_dim] (gcn=False path)
    fan_in, fan_out = 2 * D_FEAT, EMBED_DIM
    limit = float(np.sqrt(6.0 / (fan_in + fan_out)))
    weight = jax.random.uniform(k3, (2 * D_FEAT, EMBED_DIM), minval=-limit, maxval=limit, dtype=jnp.float32)
    return {"features": features, "adj": adj, "weight": weight}


def reference(features, adj, weight):
    # Mean aggregator over neighbors: gather src features, scatter-mean into dst.
    src = adj[0]
    dst = adj[1]
    gathered = jnp.take(features, src, axis=0)                      # gather [E, d]
    summed = jax.ops.segment_sum(gathered, dst, num_segments=N_NODES)  # scatter-add
    deg = jax.ops.segment_sum(jnp.ones((N_EDGES,), dtype=jnp.float32), dst, num_segments=N_NODES)
    neigh_feats = summed / jnp.clip(deg, 1.0, None)[:, None]
    # gcn=False: concat self feats with neighbor feats
    combined = jnp.concatenate([features, neigh_feats], axis=1)     # [N, 2d]
    out = jax.nn.relu(combined @ weight)                            # [N, embed]
    return out

if __name__ == "__main__":
    import jax
    _d = setup_inputs()
    print(jax.jit(kernel)(*tuple(_d.values())))

</pallas_src>

<mosaic_0001>
#map = affine_map<(d0, d1) -> (0)>
#map1 = affine_map<(d0, d1) -> (0, 0)>
#map2 = affine_map<(d0, d1) -> (0, 0, 0)>
module attributes {stable_mosaic.version = 14 : i64} {
  func.func @_sc_agg_body(%arg0: i32, %arg1: i32, %arg2: memref<320000xi32, #tpu.memory_space<hbm>>, %arg3: memref<10000x128xf32, #tpu.memory_space<hbm>>, %arg4: memref<2x10000x128xf32, #tpu.memory_space<hbm>>, %arg5: memref<20000xf32, #tpu.memory_space<hbm>>, %arg6: memref<80xi32, #tpu.memory_space<vmem>>, %arg7: memref<80xi32, #tpu.memory_space<vmem>>, %arg8: memref<80xi32, #tpu.memory_space<vmem>>, %arg9: memref<80xi32, #tpu.memory_space<vmem>>, %arg10: memref<80xi32, #tpu.memory_space<vmem>>, %arg11: memref<80xi32, #tpu.memory_space<vmem>>, %arg12: memref<80xi32, #tpu.memory_space<vmem>>, %arg13: memref<80xi32, #tpu.memory_space<vmem>>, %arg14: memref<80xi32, #tpu.memory_space<vmem>>, %arg15: memref<80xi32, #tpu.memory_space<vmem>>, %arg16: memref<80xi32, #tpu.memory_space<vmem>>, %arg17: memref<80xi32, #tpu.memory_space<vmem>>, %arg18: memref<80x128xf32, #tpu.memory_space<vmem>>, %arg19: memref<80x128xf32, #tpu.memory_space<vmem>>, %arg20: memref<80x128xf32, #tpu.memory_space<vmem>>, %arg21: memref<80x128xf32, #tpu.memory_space<vmem>>, %arg22: memref<1000xf32, #tpu.memory_space<vmem>>, %arg23: memref<80xf32, #tpu.memory_space<vmem>>, %arg24: memref<10000x128xf32, #tpu.memory_space<vmem_shared>>, %arg25: memref<10000xf32, #tpu.memory_space<vmem_shared>>, %arg26: memref<!tpu.dma_semaphore, #tpu.memory_space<semaphore_mem>>, %arg27: memref<!tpu.dma_semaphore, #tpu.memory_space<semaphore_mem>>, %arg28: memref<!tpu.dma_semaphore, #tpu.memory_space<semaphore_mem>>, %arg29: memref<!tpu.dma_semaphore, #tpu.memory_space<semaphore_mem>>, %arg30: memref<!tpu.dma_semaphore, #tpu.memory_space<semaphore_mem>>, %arg31: memref<!tpu.dma_semaphore, #tpu.memory_space<semaphore_mem>>, %arg32: memref<!tpu.dma_semaphore, #tpu.memory_space<semaphore_mem>>, %arg33: memref<!tpu.dma_semaphore, #tpu.memory_space<semaphore_mem>>) attributes {dimension_semantics = [#tpu.dimension_semantics<core_parallel>, #tpu.dimension_semantics<subcore_parallel>], iteration_bounds = array<i64: 2, 16>, scalar_prefetch = 0 : i64, scratch_operands = 28 : i64, tpu.core_type = #tpu.core_type<sc_vector_subcore>, window_params = [{transform_indices = #map}, {transform_indices = #map1}, {transform_indices = #map2}, {transform_indices = #map}]} {
    %mul3A = arith.constant 16 : i32
    %mul3A_0 = arith.muli %arg0, %mul3A : i32
    %add3A = arith.addi %mul3A_0, %arg1 : i32
    %broadcast_in_dim3A = arith.constant 0.000000e+00 : f32
    %broadcast_in_dim3A_1 = vector.broadcast %broadcast_in_dim3A : f32 to vector<16xf32>
    %broadcast_in_dim3A_2 = arith.constant 1.000000e+00 : f32
    %broadcast_in_dim3A_3 = vector.broadcast %broadcast_in_dim3A_2 : f32 to vector<16xf32>
    %mul3A_4 = arith.constant 10000 : i32
    %mul3A_5 = arith.muli %add3A, %mul3A_4 : i32
    %add3A_6 = arith.constant 0 : i32
    %add3A_7 = arith.addi %mul3A_5, %add3A_6 : i32
    %dma_start3A = tpu.memref_slice %arg2[%add3A_7] : memref<320000xi32, #tpu.memory_space<hbm>> -> memref<80xi32, #tpu.memory_space<hbm>>
    %dma_start3A_8 = tpu.memref_slice %arg2[%add3A_7] : memref<320000xi32, #tpu.memory_space<hbm>> -> memref<80xi32, #tpu.memory_space<hbm>>
    tpu.enqueue_dma source(%dma_start3A_8 : memref<80xi32, #tpu.memory_space<hbm>>) target(%arg6 : memref<80xi32, #tpu.memory_space<vmem>>) target_semaphore(%arg30 : memref<!tpu.dma_semaphore, #tpu.memory_space<semaphore_mem>>)
    %add3A_9 = arith.constant 80 : i32
    %add3A_10 = arith.addi %mul3A_5, %add3A_9 : i32
    %dma_start3A_11 = tpu.memref_slice %arg2[%add3A_10] : memref<320000xi32, #tpu.memory_space<hbm>> -> memref<80xi32, #tpu.memory_space<hbm>>
    %dma_start3A_12 = tpu.memref_slice %arg2[%add3A_10] : memref<320000xi32, #tpu.memory_space<hbm>> -> memref<80xi32, #tpu.memory_space<hbm>>
    tpu.enqueue_dma source(%dma_start3A_12 : memref<80xi32, #tpu.memory_space<hbm>>) target(%arg7 : memref<80xi32, #tpu.memory_space<vmem>>) target_semaphore(%arg31 : memref<!tpu.dma_semaphore, #tpu.memory_space<semaphore_mem>>)
    %add3A_13 = arith.constant 160 : i32
    %add3A_14 = arith.addi %mul3A_5, %add3A_13 : i32
    %dma_start3A_15 = tpu.memref_slice %arg2[%add3A_14] : memref<320000xi32, #tpu.memory_space<hbm>> -> memref<80xi32, #tpu.memory_space<hbm>>
    %dma_start3A_16 = tpu.memref_slice %arg2[%add3A_14] : memref<320000xi32, #tpu.memory_space<hbm>> -> memref<80xi32, #tpu.memory_space<hbm>>
    tpu.enqueue_dma source(%dma_start3A_16 : memref<80xi32, #tpu.memory_space<hbm>>) target(%arg8 : memref<80xi32, #tpu.memory_space<vmem>>) target_semaphore(%arg32 : memref<!tpu.dma_semaphore, #tpu.memory_space<semaphore_mem>>)
    %add3A_17 = arith.constant 240 : i32
    %add3A_18 = arith.addi %mul3A_5, %add3A_17 : i32
    %dma_start3A_19 = tpu.memref_slice %arg2[%add3A_18] : memref<320000xi32, #tpu.memory_space<hbm>> -> memref<80xi32, #tpu.memory_space<hbm>>
    %dma_start3A_20 = tpu.memref_slice %arg2[%add3A_18] : memref<320000xi32, #tpu.memory_space<hbm>> -> memref<80xi32, #tpu.memory_space<hbm>>
    tpu.enqueue_dma source(%dma_start3A_20 : memref<80xi32, #tpu.memory_space<hbm>>) target(%arg9 : memref<80xi32, #tpu.memory_space<vmem>>) target_semaphore(%arg33 : memref<!tpu.dma_semaphore, #tpu.memory_space<semaphore_mem>>)
    %scan3A = arith.constant 0 : i32
    %scan3A_21 = arith.constant 0 : i32
    %scan3A_22 = arith.constant 80 : i32
    %scan3A_23 = arith.addi %scan3A_21, %scan3A_22 : i32
    %scan3A_24 = arith.constant 1 : i32
    scf.for %scan3A_450 = %scan3A_21 to %scan3A_23 step %scan3A_24  : i32 {
      %swap3A_451 = arith.index_cast %scan3A_450 : i32 to index
      %swap3A_452 = arith.constant 0 : index
      %swap3A_453 = tpu.vector_load %arg18[%swap3A_451, %swap3A_452] {strides = array<i32>} : memref<80x128xf32, #tpu.memory_space<vmem>>, vector<1x16xf32>,
      %swap3A_454 = vector.shape_cast %swap3A_453 : vector<1x16xf32> to vector<16xf32>
      %swap3A_455 = vector.shape_cast %broadcast_in_dim3A_1 : vector<16xf32> to vector<1x16xf32>
      tpu.vector_store %arg18[%swap3A_451, %swap3A_452], %swap3A_455 {strides = array<i32>} : memref<80x128xf32, #tpu.memory_space<vmem>>, vector<1x16xf32>,
      %swap3A_456 = arith.index_cast %scan3A_450 : i32 to index
      %swap3A_457 = arith.constant 16 : index
      %swap3A_458 = tpu.vector_load %arg18[%swap3A_456, %swap3A_457] {strides = array<i32>} : memref<80x128xf32, #tpu.memory_space<vmem>>, vector<1x16xf32>,
      %swap3A_459 = vector.shape_cast %swap3A_458 : vector<1x16xf32> to vector<16xf32>
      %swap3A_460 = vector.shape_cast %broadcast_in_dim3A_1 : vector<16xf32> to vector<1x16xf32>
      tpu.vector_store %arg18[%swap3A_456, %swap3A_457], %swap3A_460 {strides = array<i32>} : memref<80x128xf32, #tpu.memory_space<vmem>>, vector<1x16xf32>,
      %swap3A_461 = arith.index_cast %scan3A_450 : i32 to index
      %swap3A_462 = arith.constant 32 : index
      %swap3A_463 = tpu.vector_load %arg18[%swap3A_461, %swap3A_462] {strides = array<i32>} : memref<80x128xf32, #tpu.memory_space<vmem>>, vector<1x16xf32>,
      %swap3A_464 = vector.shape_cast %swap3A_463 : vector<1x16xf32> to vector<16xf32>
      %swap3A_465 = vector.shape_cast %broadcast_in_dim3A_1 : vector<16xf32> to vector<1x16xf32>
      tpu.vector_store %arg18[%swap3A_461, %swap3A_462], %swap3A_465 {strides = array<i32>} : memref<80x128xf32, #tpu.memory_space<vmem>>, vector<1x16xf32>,
      %swap3A_466 = arith.index_cast %scan3A_450 : i32 to index
      %swap3A_467 = arith.constant 48 : index
      %swap3A_468 = tpu.vector_load %arg18[%swap3A_466, %swap3A_467] {strides = array<i32>} : memref<80x128xf32, #tpu.memory_space<vmem>>, vector<1x16xf32>,
      %swap3A_469 = vector.shape_cast %swap3A_468 : vector<1x16xf32> to vector<16xf32>
      %swap3A_470 = vector.shape_cast %broadcast_in_dim3A_1 : vector<16xf32> to vector<1x16xf32>
      tpu.vector_store %arg18[%swap3A_466, %swap3A_467], %swap3A_470 {strides = array<i32>} : memref<80x128xf32, #tpu.memory_space<vmem>>, vector<1x16xf32>,
      %swap3A_471 = arith.index_cast %scan3A_450 : i32 to index
      %swap3A_472 = arith.constant 64 : index
      %swap3A_473 = tpu.vector_load %arg18[%swap3A_471, %swap3A_472] {strides = array<i32>} : memref<80x128xf32, #tpu.memory_space<vmem>>, vector<1x16xf32>,
      %swap3A_474 = vector.shape_cast %swap3A_473 : vector<1x16xf32> to vector<16xf32>
      %swap3A_475 = vector.shape_cast %broadcast_in_dim3A_1 : vector<16xf32> to vector<1x16xf32>
      tpu.vector_store %arg18[%swap3A_471, %swap3A_472], %swap3A_475 {strides = array<i32>} : memref<80x128xf32, #tpu.memory_space<vmem>>, vector<1x16xf32>,
      %swap3A_476 = arith.index_cast %scan3A_450 : i32 to index
      %swap3A_477 = arith.constant 80 : index
      %swap3A_478 = tpu.vector_load %arg18[%swap3A_476, %swap3A_477] {strides = array<i32>} : memref<80x128xf32, #tpu.memory_space<vmem>>, vector<1x16xf32>,
      %swap3A_479 = vector.shape_cast %swap3A_478 : vector<1x16xf32> to vector<16xf32>
      %swap3A_480 = vector.shape_cast %broadcast_in_dim3A_1 : vector<16xf32> to vector<1x16xf32>
      tpu.vector_store %arg18[%swap3A_476, %swap3A_477], %swap3A_480 {strides = array<i32>} : memref<80x128xf32, #tpu.memory_space<vmem>>, vector<1x16xf32>,
      %swap3A_481 = arith.index_cast %scan3A_450 : i32 to index
      %swap3A_482 = arith.constant 96 : index
      %swap3A_483 = tpu.vector_load %arg18[%swap3A_481, %swap3A_482] {strides = array<i32>} : memref<80x128xf32, #tpu.memory_space<vmem>>, vector<1x16xf32>,
      %swap3A_484 = vector.shape_cast %swap3A_483 : vector<1x16xf32> to vector<16xf32>
      %swap3A_485 = vector.shape_cast %broadcast_in_dim3A_1 : vector<16xf32> to vector<1x16xf32>
      tpu.vector_store %arg18[%swap3A_481, %swap3A_482], %swap3A_485 {strides = array<i32>} : memref<80x128xf32, #tpu.memory_space<vmem>>, vector<1x16xf32>,
      %swap3A_486 = arith.index_cast %scan3A_450 : i32 to index
      %swap3A_487 = arith.constant 112 : index
      %swap3A_488 = tpu.vector_load %arg18[%swap3A_486, %swap3A_487] {strides = array<i32>} : memref<80x128xf32, #tpu.memory_space<vmem>>, vector<1x16xf32>,
      %swap3A_489 = vector.shape_cast %swap3A_488 : vector<1x16xf32> to vector<16xf32>
      %swap3A_490 = vector.shape_cast %broadcast_in_dim3A_1 : vector<16xf32> to vector<1x16xf32>
      tpu.vector_store %arg18[%swap3A_486, %swap3A_487], %swap3A_490 {strides = array<i32>} : memref<80x128xf32, #tpu.memory_space<vmem>>, vector<1x16xf32>,
    }
    %scan3A_25 = arith.constant 80 : i32
    %scan3A_26 = arith.constant 0 : i32
    %scan3A_27 = arith.constant 0 : i32
    %scan3A_28 = arith.constant 62 : i32
    %scan3A_29 = arith.addi %scan3A_27, %scan3A_28 : i32
    %scan3A_30 = arith.constant 1 : i32
    scf.for %scan3A_450 = %scan3A_27 to %scan3A_29 step %scan3A_30  : i32 {
      %mul3A_451 = arith.constant 16 : i32
      %mul3A_452 = arith.muli %scan3A_450, %mul3A_451 : i32
      %swap3A_453 = arith.index_cast %mul3A_452 : i32 to index
      %swap3A_454 = tpu.vector_load %arg22[%swap3A_453] {strides = array<i32>} : memref<1000xf32, #tpu.memory_space<vmem>>, vector<16xf32>,
      %swap3A_455 = vector.shape_cast %swap3A_454 : vector<16xf32> to vector<16xf32>
      %swap3A_456 = vector.shape_cast %broadcast_in_dim3A_1 : vector<16xf32> to vector<16xf32>
      tpu.vector_store %arg22[%swap3A_453], %swap3A_456 {strides = array<i32>} : memref<1000xf32, #tpu.memory_space<vmem>>, vector<16xf32>,
    }
    %scan3A_31 = arith.constant 62 : i32
    %swap3A = arith.constant 0 : index
    %swap3A_32 = tpu.vector_load %arg23[%swap3A] {strides = array<i32>} : memref<80xf32, #tpu.memory_space<vmem>>, vector<16xf32>,
    %swap3A_33 = vector.shape_cast %swap3A_32 : vector<16xf32> to vector<16xf32>
    %swap3A_34 = vector.shape_cast %broadcast_in_dim3A_3 : vector<16xf32> to vector<16xf32>
    tpu.vector_store %arg23[%swap3A], %swap3A_34 {strides = array<i32>} : memref<80xf32, #tpu.memory_space<vmem>>, vector<16xf32>,
    %swap3A_35 = arith.constant 16 : index
    %swap3A_36 = tpu.vector_load %arg23[%swap3A_35] {strides = array<i32>} : memref<80xf32, #tpu.memory_space<vmem>>, vector<16xf32>,
    %swap3A_37 = vector.shape_cast %swap3A_36 : vector<16xf32> to vector<16xf32>
    %swap3A_38 = vector.shape_cast %broadcast_in_dim3A_3 : vector<16xf32> to vector<16xf32>
    tpu.vector_store %arg23[%swap3A_35], %swap3A_38 {strides = array<i32>} : memref<80xf32, #tpu.memory_space<vmem>>, vector<16xf32>,
    %swap3A_39 = arith.constant 32 : index
    %swap3A_40 = tpu.vector_load %arg23[%swap3A_39] {strides = array<i32>} : memref<80xf32, #tpu.memory_space<vmem>>, vector<16xf32>,
    %swap3A_41 = vector.shape_cast %swap3A_40 : vector<16xf32> to vector<16xf32>
    %swap3A_42 = vector.shape_cast %broadcast_in_dim3A_3 : vector<16xf32> to vector<16xf32>
    tpu.vector_store %arg23[%swap3A_39], %swap3A_42 {strides = array<i32>} : memref<80xf32, #tpu.memory_space<vmem>>, vector<16xf32>,
    %swap3A_43 = arith.constant 48 : index
    %swap3A_44 = tpu.vector_load %arg23[%swap3A_43] {strides = array<i32>} : memref<80xf32, #tpu.memory_space<vmem>>, vector<16xf32>,
    %swap3A_45 = vector.shape_cast %swap3A_44 : vector<16xf32> to vector<16xf32>
    %swap3A_46 = vector.shape_cast %broadcast_in_dim3A_3 : vector<16xf32> to vector<16xf32>
    tpu.vector_store %arg23[%swap3A_43], %swap3A_46 {strides = array<i32>} : memref<80xf32, #tpu.memory_space<vmem>>, vector<16xf32>,
    %swap3A_47 = arith.constant 64 : index
    %swap3A_48 = tpu.vector_load %arg23[%swap3A_47] {strides = array<i32>} : memref<80xf32, #tpu.memory_space<vmem>>, vector<16xf32>,
    %swap3A_49 = vector.shape_cast %swap3A_48 : vector<16xf32> to vector<16xf32>
    %swap3A_50 = vector.shape_cast %broadcast_in_dim3A_3 : vector<16xf32> to vector<16xf32>
    tpu.vector_store %arg23[%swap3A_47], %swap3A_50 {strides = array<i32>} : memref<80xf32, #tpu.memory_space<vmem>>, vector<16xf32>,
    %mul3A_51 = arith.constant 1000 : i32
    %mul3A_52 = arith.muli %arg1, %mul3A_51 : i32
    %lt3A = arith.constant 10 : i32
    %lt3A_53 = arith.cmpi slt, %arg1, %lt3A : i32
    %convert_element_type3A = arith.extui %lt3A_53 : i1 to i32
    %cond3A = arith.constant 0 : i32
    %cond3A_54 = arith.cmpi ne, %convert_element_type3A, %cond3A : i32
    scf.if %cond3A_54 {
      %scan3A_450 = arith.constant 0 : i32
      %scan3A_451 = arith.constant 0 : i32
      %scan3A_452 = arith.constant 12 : i32
      %scan3A_453 = arith.addi %scan3A_451, %scan3A_452 : i32
      %scan3A_454 = arith.constant 1 : i32
      scf.for %scan3A_458 = %scan3A_451 to %scan3A_453 step %scan3A_454  : i32 {
        %mul3A_459 = arith.constant 80 : i32
        %mul3A_460 = arith.muli %scan3A_458, %mul3A_459 : i32
        %add3A_461 = arith.addi %mul3A_52, %mul3A_460 : i32
        "tpu.region"() ({
          %run_scoped3A = tpu.sem_alloc : memref<!tpu.dma_semaphore, #tpu.memory_space<semaphore_mem>>
          %dma_start3A_462 = arith.constant 0 : i32
          %dma_start3A_463 = tpu.memref_slice %arg24[%add3A_461, %dma_start3A_462] : memref<10000x128xf32, #tpu.memory_space<vmem_shared>> -> memref<80x128xf32, #tpu.memory_space<vmem_shared>>
          %dma_start3A_464 = arith.constant 0 : i32
          %dma_start3A_465 = tpu.memref_slice %arg24[%add3A_461, %dma_start3A_464] : memref<10000x128xf32, #tpu.memory_space<vmem_shared>> -> memref<80x128xf32, #tpu.memory_space<vmem_shared>>
          tpu.enqueue_dma source(%arg18 : memref<80x128xf32, #tpu.memory_space<vmem>>) target(%dma_start3A_465 : memref<80x128xf32, #tpu.memory_space<vmem_shared>>) target_semaphore(%run_scoped3A : memref<!tpu.dma_semaphore, #tpu.memory_space<semaphore_mem>>)
          %dma_wait3A_466 = arith.constant 0 : i32
          %dma_wait3A_467 = tpu.memref_slice %arg24[%add3A_461, %dma_wait3A_466] : memref<10000x128xf32, #tpu.memory_space<vmem_shared>> -> memref<80x128xf32, #tpu.memory_space<vmem_shared>>
          %dma_wait3A_468 = arith.constant 0 : i32
          %dma_wait3A_469 = tpu.memref_slice %arg24[%add3A_461, %dma_wait3A_468] : memref<10000x128xf32, #tpu.memory_space<vmem_shared>> -> memref<80x128xf32, #tpu.memory_space<vmem_shared>>
          tpu.wait_dma2 semaphore(%run_scoped3A : memref<!tpu.dma_semaphore, #tpu.memory_space<semaphore_mem>>) src(%arg18 : memref<80x128xf32, #tpu.memory_space<vmem>>) dst(%dma_wait3A_469 : memref<80x128xf32, #tpu.memory_space<vmem_shared>>)
          tpu.yield
        }) : () -> ()
      }
      %scan3A_455 = arith.constant 12 : i32
      %add3A_456 = arith.constant 960 : i32
      %add3A_457 = arith.addi %mul3A_52, %add3A_456 : i32
      "tpu.region"() ({
        %run_scoped3A = tpu.sem_alloc : memref<!tpu.dma_semaphore, #tpu.memory_space<semaphore_mem>>
        %dma_start3A_458 = arith.constant 0 : i32
        %dma_start3A_459 = arith.constant 0 : i32
        %dma_start3A_460 = tpu.memref_slice %arg18[%dma_start3A_458, %dma_start3A_459] : memref<80x128xf32, #tpu.memory_space<vmem>> -> memref<40x128xf32, #tpu.memory_space<vmem>>
        %dma_start3A_461 = arith.constant 0 : i32
        %dma_start3A_462 = tpu.memref_slice %arg24[%add3A_457, %dma_start3A_461] : memref<10000x128xf32, #tpu.memory_space<vmem_shared>> -> memref<40x128xf32, #tpu.memory_space<vmem_shared>>
        %dma_start3A_463 = arith.constant 0 : i32
        %dma_start3A_464 = tpu.memref_slice %arg24[%add3A_457, %dma_start3A_463] : memref<10000x128xf32, #tpu.memory_space<vmem_shared>> -> memref<40x128xf32, #tpu.memory_space<vmem_shared>>
        %dma_start3A_465 = arith.constant 0 : i32
        %dma_start3A_466 = arith.constant 0 : i32
        %dma_start3A_467 = tpu.memref_slice %arg18[%dma_start3A_465, %dma_start3A_466] : memref<80x128xf32, #tpu.memory_space<vmem>> -> memref<40x128xf32, #tpu.memory_space<vmem>>
        tpu.enqueue_dma source(%dma_start3A_467 : memref<40x128xf32, #tpu.memory_space<vmem>>) target(%dma_start3A_464 : memref<40x128xf32, #tpu.memory_space<vmem_shared>>) target_semaphore(%run_scoped3A : memref<!tpu.dma_semaphore, #tpu.memory_space<semaphore_mem>>)
        %dma_wait3A_468 = arith.constant 0 : i32
        %dma_wait3A_469 = arith.constant 0 : i32
        %dma_wait3A_470 = tpu.memref_slice %arg18[%dma_wait3A_468, %dma_wait3A_469] : memref<80x128xf32, #tpu.memory_space<vmem>> -> memref<40x128xf32, #tpu.memory_space<vmem>>
        %dma_wait3A_471 = arith.constant 0 : i32
        %dma_wait3A_472 = tpu.memref_slice %arg24[%add3A_457, %dma_wait3A_471] : memref<10000x128xf32, #tpu.memory_space<vmem_shared>> -> memref<40x128xf32, #tpu.memory_space<vmem_shared>>
        %dma_wait3A_473 = arith.constant 0 : i32
        %dma_wait3A_474 = tpu.memref_slice %arg24[%add3A_457, %dma_wait3A_473] : memref<10000x128xf32, #tpu.memory_space<vmem_shared>> -> memref<40x128xf32, #tpu.memory_space<vmem_shared>>
        %dma_wait3A_475 = arith.constant 0 : i32
        %dma_wait3A_476 = arith.constant 0 : i32
        %dma_wait3A_477 = tpu.memref_slice %arg18[%dma_wait3A_475, %dma_wait3A_476] : memref<80x128xf32, #tpu.memory_space<vmem>> -> memref<40x128xf32, #tpu.memory_space<vmem>>
        tpu.wait_dma2 semaphore(%run_scoped3A : memref<!tpu.dma_semaphore, #tpu.memory_space<semaphore_mem>>) src(%dma_wait3A_477 : memref<40x128xf32, #tpu.memory_space<vmem>>) dst(%dma_wait3A_474 : memref<40x128xf32, #tpu.memory_space<vmem_shared>>)
        tpu.yield
      }) : () -> ()
      "tpu.region"() ({
        %run_scoped3A = tpu.sem_alloc : memref<!tpu.dma_semaphore, #tpu.memory_space<semaphore_mem>>
        %dma_start3A_458 = tpu.memref_slice %arg25[%mul3A_52] : memref<10000xf32, #tpu.memory_space<vmem_shared>> -> memref<1000xf32, #tpu.memory_space<vmem_shared>>
        %dma_start3A_459 = tpu.memref_slice %arg25[%mul3A_52] : memref<10000xf32, #tpu.memory_space<vmem_shared>> -> memref<1000xf32, #tpu.memory_space<vmem_shared>>
        tpu.enqueue_dma source(%arg22 : memref<1000xf32, #tpu.memory_space<vmem>>) target(%dma_start3A_459 : memref<1000xf32, #tpu.memory_space<vmem_shared>>) target_semaphore(%run_scoped3A : memref<!tpu.dma_semaphore, #tpu.memory_space<semaphore_mem>>)
        %dma_wait3A_460 = tpu.memref_slice %arg25[%mul3A_52] : memref<10000xf32, #tpu.memory_space<vmem_shared>> -> memref<1000xf32, #tpu.memory_space<vmem_shared>>
        %dma_wait3A_461 = tpu.memref_slice %arg25[%mul3A_52] : memref<10000xf32, #tpu.memory_space<vmem_shared>> -> memref<1000xf32, #tpu.memory_space<vmem_shared>>
        tpu.wait_dma2 semaphore(%run_scoped3A : memref<!tpu.dma_semaphore, #tpu.memory_space<semaphore_mem>>) src(%arg22 : memref<1000xf32, #tpu.memory_space<vmem>>) dst(%dma_wait3A_461 : memref<1000xf32, #tpu.memory_space<vmem_shared>>)
        tpu.yield
      }) : () -> ()
    } else {
    }
    %add3A_55 = arith.constant 0 : i32
    %add3A_56 = arith.addi %mul3A_5, %add3A_55 : i32
    %dma_wait3A = tpu.memref_slice %arg2[%add3A_56] : memref<320000xi32, #tpu.memory_space<hbm>> -> memref<80xi32, #tpu.memory_space<hbm>>
    %dma_wait3A_57 = tpu.memref_slice %arg2[%add3A_56] : memref<320000xi32, #tpu.memory_space<hbm>> -> memref<80xi32, #tpu.memory_space<hbm>>
    tpu.wait_dma2 semaphore(%arg30 : memref<!tpu.dma_semaphore, #tpu.memory_space<semaphore_mem>>) src(%dma_wait3A_57 : memref<80xi32, #tpu.memory_space<hbm>>) dst(%arg6 : memref<80xi32, #tpu.memory_space<vmem>>)
    %get3A = arith.constant 0 : index
    %get3A_58 = tpu.vector_load %arg6[%get3A] {strides = array<i32>} : memref<80xi32, #tpu.memory_space<vmem>>, vector<16xi32>,
    %get3A_59 = vector.shape_cast %get3A_58 : vector<16xi32> to vector<16xi32>
    %and3A = arith.constant 65535 : i32
    %and3A_60 = vector.broadcast %and3A : i32 to vector<16xi32>
    %and3A_61 = arith.andi %get3A_59, %and3A_60 : vector<16xi32>
    %swap3A_62 = arith.constant 0 : index
    %swap3A_63 = tpu.vector_load %arg10[%swap3A_62] {strides = array<i32>} : memref<80xi32, #tpu.memory_space<vmem>>, vector<16xi32>,
    %swap3A_64 = vector.shape_cast %swap3A_63 : vector<16xi32> to vector<16xi32>
    %swap3A_65 = vector.shape_cast %and3A_61 : vector<16xi32> to vector<16xi32>
    tpu.vector_store %arg10[%swap3A_62], %swap3A_65 {strides = array<i32>} : memref<80xi32, #tpu.memory_space<vmem>>, vector<16xi32>,
    %shift_right_logical3A = arith.constant 16 : i32
    %shift_right_logical3A_66 = vector.broadcast %shift_right_logical3A : i32 to vector<16xi32>
    %shift_right_logical3A_67 = arith.shrui %get3A_59, %shift_right_logical3A_66 : vector<16xi32>
    %swap3A_68 = arith.constant 0 : index
    %swap3A_69 = tpu.vector_load %arg14[%swap3A_68] {strides = array<i32>} : memref<80xi32, #tpu.memory_space<vmem>>, vector<16xi32>,
    %swap3A_70 = vector.shape_cast %swap3A_69 : vector<16xi32> to vector<16xi32>
    %swap3A_71 = vector.shape_cast %shift_right_logical3A_67 : vector<16xi32> to vector<16xi32>
    tpu.vector_store %arg14[%swap3A_68], %swap3A_71 {strides = array<i32>} : memref<80xi32, #tpu.memory_space<vmem>>, vector<16xi32>,
    %get3A_72 = arith.constant 16 : index
    %get3A_73 = tpu.vector_load %arg6[%get3A_72] {strides = array<i32>} : memref<80xi32, #tpu.memory_space<vmem>>, vector<16xi32>,
    %get3A_74 = vector.shape_cast %get3A_73 : vector<16xi32> to vector<16xi32>
    %and3A_75 = arith.constant 65535 : i32
    %and3A_76 = vector.broadcast %and3A_75 : i32 to vector<16xi32>
    %and3A_77 = arith.andi %get3A_74, %and3A_76 : vector<16xi32>
    %swap3A_78 = arith.constant 16 : index
    %swap3A_79 = tpu.vector_load %arg10[%swap3A_78] {strides = array<i32>} : memref<80xi32, #tpu.memory_space<vmem>>, vector<16xi32>,
    %swap3A_80 = vector.shape_cast %swap3A_79 : vector<16xi32> to vector<16xi32>
    %swap3A_81 = vector.shape_cast %and3A_77 : vector<16xi32> to vector<16xi32>
    tpu.vector_store %arg10[%swap3A_78], %swap3A_81 {strides = array<i32>} : memref<80xi32, #tpu.memory_space<vmem>>, vector<16xi32>,
    %shift_right_logical3A_82 = arith.constant 16 : i32
    %shift_right_logical3A_83 = vector.broadcast %shift_right_logical3A_82 : i32 to vector<16xi32>
    %shift_right_logical3A_84 = arith.shrui %get3A_74, %shift_right_logical3A_83 : vector<16xi32>
    %swap3A_85 = arith.constant 16 : index
    %swap3A_86 = tpu.vector_load %arg14[%swap3A_85] {strides = array<i32>} : memref<80xi32, #tpu.memory_space<vmem>>, vector<16xi32>,
    %swap3A_87 = vector.shape_cast %swap3A_86 : vector<16xi32> to vector<16xi32>
    %swap3A_88 = vector.shape_cast %shift_right_logical3A_84 : vector<16xi32> to vector<16xi32>
    tpu.vector_store %arg14[%swap3A_85], %swap3A_88 {strides = array<i32>} : memref<80xi32, #tpu.memory_space<vmem>>, vector<16xi32>,
    %get3A_89 = arith.constant 32 : index
    %get3A_90 = tpu.vector_load %arg6[%get3A_89] {strides = array<i32>} : memref<80xi32, #tpu.memory_space<vmem>>, vector<16xi32>,
    %get3A_91 = vector.shape_cast %get3A_90 : vector<16xi32> to vector<16xi32>
    %and3A_92 = arith.constant 65535 : i32
    %and3A_93 = vector.broadcast %and3A_92 : i32 to vector<16xi32>
    %and3A_94 = arith.andi %get3A_91, %and3A_93 : vector<16xi32>
    %swap3A_95 = arith.constant 32 : index
    %swap3A_96 = tpu.vector_load %arg10[%swap3A_95] {strides = array<i32>} : memref<80xi32, #tpu.memory_space<vmem>>, vector<16xi32>,
    %swap3A_97 = vector.shape_cast %swap3A_96 : vector<16xi32> to vector<16xi32>
    %swap3A_98 = vector.shape_cast %and3A_94 : vector<16xi32> to vector<16xi32>
    tpu.vector_store %arg10[%swap3A_95], %swap3A_98 {strides = array<i32>} : memref<80xi32, #tpu.memory_space<vmem>>, vector<16xi32>,
    %shift_right_logical3A_99 = arith.constant 16 : i32
    %shift_right_logical3A_100 = vector.broadcast %shift_right_logical3A_99 : i32 to vector<16xi32>
    %shift_right_logical3A_101 = arith.shrui %get3A_91, %shift_right_logical3A_100 : vector<16xi32>
    %swap3A_102 = arith.constant 32 : index
    %swap3A_103 = tpu.vector_load %arg14[%swap3A_102] {strides = array<i32>} : memref<80xi32, #tpu.memory_space<vmem>>, vector<16xi32>,
    %swap3A_104 = vector.shape_cast %swap3A_103 : vector<16xi32> to vector<16xi32>
    %swap3A_105 = vector.shape_cast %shift_right_logical3A_101 : vector<16xi32> to vector<16xi32>
    tpu.vector_store %arg14[%swap3A_102], %swap3A_105 {strides = array<i32>} : memref<80xi32, #tpu.memory_space<vmem>>, vector<16xi32>,
    %get3A_106 = arith.constant 48 : index
    %get3A_107 = tpu.vector_load %arg6[%get3A_106] {strides = array<i32>} : memref<80xi32, #tpu.memory_space<vmem>>, vector<16xi32>,
    %get3A_108 = vector.shape_cast %get3A_107 : vector<16xi32> to vector<16xi32>
    %and3A_109 = arith.constant 65535 : i32
    %and3A_110 = vector.broadcast %and3A_109 : i32 to vector<16xi32>
    %and3A_111 = arith.andi %get3A_108, %and3A_110 : vector<16xi32>
    %swap3A_112 = arith.constant 48 : index
    %swap3A_113 = tpu.vector_load %arg10[%swap3A_112] {strides = array<i32>} : memref<80xi32, #tpu.memory_space<vmem>>, vector<16xi32>,
    %swap3A_114 = vector.shape_cast %swap3A_113 : vector<16xi32> to vector<16xi32>
    %swap3A_115 = vector.shape_cast %and3A_111 : vector<16xi32> to vector<16xi32>
    tpu.vector_store %arg10[%swap3A_112], %swap3A_115 {strides = array<i32>} : memref<80xi32, #tpu.memory_space<vmem>>, vector<16xi32>,
    %shift_right_logical3A_116 = arith.constant 16 : i32
    %shift_right_logical3A_117 = vector.broadcast %shift_right_logical3A_116 : i32 to vector<16xi32>
    %shift_right_logical3A_118 = arith.shrui %get3A_108, %shift_right_logical3A_117 : vector<16xi32>
    %swap3A_119 = arith.constant 48 : index
    %swap3A_120 = tpu.vector_load %arg14[%swap3A_119] {strides = array<i32>} : memref<80xi32, #tpu.memory_space<vmem>>, vector<16xi32>,
    %swap3A_121 = vector.shape_cast %swap3A_120 : vector<16xi32> to vector<16xi32>
    %swap3A_122 = vector.shape_cast %shift_right_logical3A_118 : vector<16xi32> to vector<16xi32>
    tpu.vector_store %arg14[%swap3A_119], %swap3A_122 {strides = array<i32>} : memref<80xi32, #tpu.memory_space<vmem>>, vector<16xi32>,
    %get3A_123 = arith.constant 64 : index
    %get3A_124 = tpu.vector_load %arg6[%get3A_123] {strides = array<i32>} : memref<80xi32, #tpu.memory_space<vmem>>, vector<16xi32>,
    %get3A_125 = vector.shape_cast %get3A_124 : vector<16xi32> to vector<16xi32>
    %and3A_126 = arith.constant 65535 : i32
    %and3A_127 = vector.broadcast %and3A_126 : i32 to vector<16xi32>
    %and3A_128 = arith.andi %get3A_125, %and3A_127 : vector<16xi32>
    %swap3A_129 = arith.constant 64 : index
    %swap3A_130 = tpu.vector_load %arg10[%swap3A_129] {strides = array<i32>} : memref<80xi32, #tpu.memory_space<vmem>>, vector<16xi32>,
    %swap3A_131 = vector.shape_cast %swap3A_130 : vector<16xi32> to vector<16xi32>
    %swap3A_132 = vector.shape_cast %and3A_128 : vector<16xi32> to vector<16xi32>
    tpu.vector_store %arg10[%swap3A_129], %swap3A_132 {strides = array<i32>} : memref<80xi32, #tpu.memory_space<vmem>>, vector<16xi32>,
    %shift_right_logical3A_133 = arith.constant 16 : i32
    %shift_right_logical3A_134 = vector.broadcast %shift_right_logical3A_133 : i32 to vector<16xi32>
    %shift_right_logical3A_135 = arith.shrui %get3A_125, %shift_right_logical3A_134 : vector<16xi32>
    %swap3A_136 = arith.constant 64 : index
    %swap3A_137 = tpu.vector_load %arg14[%swap3A_136] {strides = array<i32>} : memref<80xi32, #tpu.memory_space<vmem>>, vector<16xi32>,
    %swap3A_138 = vector.shape_cast %swap3A_137 : vector<16xi32> to vector<16xi32>
    %swap3A_139 = vector.shape_cast %shift_right_logical3A_135 : vector<16xi32> to vector<16xi32>
    tpu.vector_store %arg14[%swap3A_136], %swap3A_139 {strides = array<i32>} : memref<80xi32, #tpu.memory_space<vmem>>, vector<16xi32>,
    %dma_start3A_140 = arith.constant 0 : i32
    %dma_start3A_141 = arith.constant 0 : i32
    %dma_start3A_142 = tpu.memref_slice %arg3[%dma_start3A_140, %dma_start3A_141] : memref<10000x128xf32, #tpu.memory_space<hbm>> -> memref<10000x128xf32, #tpu.memory_space<hbm>>
    tpu.enqueue_indirect_dma source(%dma_start3A_142 : memref<10000x128xf32, #tpu.memory_space<hbm>>) target(%arg18 : memref<80x128xf32, #tpu.memory_space<vmem>>) offsets(%arg10 : memref<80xi32, #tpu.memory_space<vmem>>) semaphore(%arg26 : memref<!tpu.dma_semaphore, #tpu.memory_space<semaphore_mem>>)
    %add3A_143 = arith.constant 320 : i32
    %add3A_144 = arith.addi %mul3A_5, %add3A_143 : i32
    %dma_start3A_145 = tpu.memref_slice %arg2[%add3A_144] : memref<320000xi32, #tpu.memory_space<hbm>> -> memref<80xi32, #tpu.memory_space<hbm>>
    %dma_start3A_146 = tpu.memref_slice %arg2[%add3A_144] : memref<320000xi32, #tpu.memory_space<hbm>> -> memref<80xi32, #tpu.memory_space<hbm>>
    tpu.enqueue_dma source(%dma_start3A_146 : memref<80xi32, #tpu.memory_space<hbm>>) target(%arg6 : memref<80xi32, #tpu.memory_space<vmem>>) target_semaphore(%arg30 : memref<!tpu.dma_semaphore, #tpu.memory_space<semaphore_mem>>)
    %add3A_147 = arith.constant 80 : i32
    %add3A_148 = arith.addi %mul3A_5, %add3A_147 : i32
    %dma_wait3A_149 = tpu.memref_slice %arg2[%add3A_148] : memref<320000xi32, #tpu.memory_space<hbm>> -> memref<80xi32, #tpu.memory_space<hbm>>
    %dma_wait3A_150 = tpu.memref_slice %arg2[%add3A_148] : memref<320000xi32, #tpu.memory_space<hbm>> -> memref<80xi32, #tpu.memory_space<hbm>>
    tpu.wait_dma2 semaphore(%arg31 : memref<!tpu.dma_semaphore, #tpu.memory_space<semaphore_mem>>) src(%dma_wait3A_150 : memref<80xi32, #tpu.memory_space<hbm>>) dst(%arg7 : memref<80xi32, #tpu.memory_space<vmem>>)
    %get3A_151 = arith.constant 0 : index
    %get3A_152 = tpu.vector_load %arg7[%get3A_151] {strides = array<i32>} : memref<80xi32, #tpu.memory_space<vmem>>, vector<16xi32>,
    %get3A_153 = vector.shape_cast %get3A_152 : vector<16xi32> to vector<16xi32>
    %and3A_154 = arith.constant 65535 : i32
    %and3A_155 = vector.broadcast %and3A_154 : i32 to vector<16xi32>
    %and3A_156 = arith.andi %get3A_153, %and3A_155 : vector<16xi32>
    %swap3A_157 = arith.constant 0 : index
    %swap3A_158 = tpu.vector_load %arg11[%swap3A_157] {strides = array<i32>} : memref<80xi32, #tpu.memory_space<vmem>>, vector<16xi32>,
    %swap3A_159 = vector.shape_cast %swap3A_158 : vector<16xi32> to vector<16xi32>
    %swap3A_160 = vector.shape_cast %and3A_156 : vector<16xi32> to vector<16xi32>
    tpu.vector_store %arg11[%swap3A_157], %swap3A_160 {strides = array<i32>} : memref<80xi32, #tpu.memory_space<vmem>>, vector<16xi32>,
    %shift_right_logical3A_161 = arith.constant 16 : i32
    %shift_right_logical3A_162 = vector.broadcast %shift_right_logical3A_161 : i32 to vector<16xi32>
    %shift_right_logical3A_163 = arith.shrui %get3A_153, %shift_right_logical3A_162 : vector<16xi32>
    %swap3A_164 = arith.constant 0 : index
    %swap3A_165 = tpu.vector_load %arg15[%swap3A_164] {strides = array<i32>} : memref<80xi32, #tpu.memory_space<vmem>>, vector<16xi32>,
    %swap3A_166 = vector.shape_cast %swap3A_165 : vector<16xi32> to vector<16xi32>
    %swap3A_167 = vector.shape_cast %shift_right_logical3A_163 : vector<16xi32> to vector<16xi32>
    tpu.vector_store %arg15[%swap3A_164], %swap3A_167 {strides = array<i32>} : memref<80xi32, #tpu.memory_space<vmem>>, vector<16xi32>,
    %get3A_168 = arith.constant 16 : index
    %get3A_169 = tpu.vector_load %arg7[%get3A_168] {strides = array<i32>} : memref<80xi32, #tpu.memory_space<vmem>>, vector<16xi32>,
    %get3A_170 = vector.shape_cast %get3A_169 : vector<16xi32> to vector<16xi32>
    %and3A_171 = arith.constant 65535 : i32
    %and3A_172 = vector.broadcast %and3A_171 : i32 to vector<16xi32>
    %and3A_173 = arith.andi %get3A_170, %and3A_172 : vector<16xi32>
    %swap3A_174 = arith.constant 16 : index
    %swap3A_175 = tpu.vector_load %arg11[%swap3A_174] {strides = array<i32>} : memref<80xi32, #tpu.memory_space<vmem>>, vector<16xi32>,
    %swap3A_176 = vector.shape_cast %swap3A_175 : vector<16xi32> to vector<16xi32>
    %swap3A_177 = vector.shape_cast %and3A_173 : vector<16xi32> to vector<16xi32>
    tpu.vector_store %arg11[%swap3A_174], %swap3A_177 {strides = array<i32>} : memref<80xi32, #tpu.memory_space<vmem>>, vector<16xi32>,
    %shift_right_logical3A_178 = arith.constant 16 : i32
    %shift_right_logical3A_179 = vector.broadcast %shift_right_logical3A_178 : i32 to vector<16xi32>
    %shift_right_logical3A_180 = arith.shrui %get3A_170, %shift_right_logical3A_179 : vector<16xi32>
    %swap3A_181 = arith.constant 16 : index
    %swap3A_182 = tpu.vector_load %arg15[%swap3A_181] {strides = array<i32>} : memref<80xi32, #tpu.memory_space<vmem>>, vector<16xi32>,
    %swap3A_183 = vector.shape_cast %swap3A_182 : vector<16xi32> to vector<16xi32>
    %swap3A_184 = vector.shape_cast %shift_right_logical3A_180 : vector<16xi32> to vector<16xi32>
    tpu.vector_store %arg15[%swap3A_181], %swap3A_184 {strides = array<i32>} : memref<80xi32, #tpu.memory_space<vmem>>, vector<16xi32>,
    %get3A_185 = arith.constant 32 : index
    %get3A_186 = tpu.vector_load %arg7[%get3A_185] {strides = array<i32>} : memref<80xi32, #tpu.memory_space<vmem>>, vector<16xi32>,
    %get3A_187 = vector.shape_cast %get3A_186 : vector<16xi32> to vector<16xi32>
    %and3A_188 = arith.constant 65535 : i32
    %and3A_189 = vector.broadcast %and3A_188 : i32 to vector<16xi32>
    %and3A_190 = arith.andi %get3A_187, %and3A_189 : vector<16xi32>
    %swap3A_191 = arith.constant 32 : index
    %swap3A_192 = tpu.vector_load %arg11[%swap3A_191] {strides = array<i32>} : memref<80xi32, #tpu.memory_space<vmem>>, vector<16xi32>,
    %swap3A_193 = vector.shape_cast %swap3A_192 : vector<16xi32> to vector<16xi32>
    %swap3A_194 = vector.shape_cast %and3A_190 : vector<16xi32> to vector<16xi32>
    tpu.vector_store %arg11[%swap3A_191], %swap3A_194 {strides = array<i32>} : memref<80xi32, #tpu.memory_space<vmem>>, vector<16xi32>,
    %shift_right_logical3A_195 = arith.constant 16 : i32
    %shift_right_logical3A_196 = vector.broadcast %shift_right_logical3A_195 : i32 to vector<16xi32>
    %shift_right_logical3A_197 = arith.shrui %get3A_187, %shift_right_logical3A_196 : vector<16xi32>
    %swap3A_198 = arith.constant 32 : index
    %swap3A_199 = tpu.vector_load %arg15[%swap3A_198] {strides = array<i32>} : memref<80xi32, #tpu.memory_space<vmem>>, vector<16xi32>,
    %swap3A_200 = vector.shape_cast %swap3A_199 : vector<16xi32> to vector<16xi32>
    %swap3A_201 = vector.shape_cast %shift_right_logical3A_197 : vector<16xi32> to vector<16xi32>
    tpu.vector_store %arg15[%swap3A_198], %swap3A_201 {strides = array<i32>} : memref<80xi32, #tpu.memory_space<vmem>>, vector<16xi32>,
    %get3A_202 = arith.constant 48 : index
    %get3A_203 = tpu.vector_load %arg7[%get3A_202] {strides = array<i32>} : memref<80xi32, #tpu.memory_space<vmem>>, vector<16xi32>,
    %get3A_204 = vector.shape_cast %get3A_203 : vector<16xi32> to vector<16xi32>
    %and3A_205 = arith.constant 65535 : i32
    %and3A_206 = vector.broadcast %and3A_205 : i32 to vector<16xi32>
    %and3A_207 = arith.andi %get3A_204, %and3A_206 : vector<16xi32>
    %swap3A_208 = arith.constant 48 : index
    %swap3A_209 = tpu.vector_load %arg11[%swap3A_208] {strides = array<i32>} : memref<80xi32, #tpu.memory_space<vmem>>, vector<16xi32>,
    %swap3A_210 = vector.shape_cast %swap3A_209 : vector<16xi32> to vector<16xi32>
    %swap3A_211 = vector.shape_cast %and3A_207 : vector<16xi32> to vector<16xi32>
    tpu.vector_store %arg11[%swap3A_208], %swap3A_211 {strides = array<i32>} : memref<80xi32, #tpu.memory_space<vmem>>, vector<16xi32>,
    %shift_right_logical3A_212 = arith.constant 16 : i32
    %shift_right_logical3A_213 = vector.broadcast %shift_right_logical3A_212 : i32 to vector<16xi32>
    %shift_right_logical3A_214 = arith.shrui %get3A_204, %shift_right_logical3A_213 : vector<16xi32>
    %swap3A_215 = arith.constant 48 : index
    %swap3A_216 = tpu.vector_load %arg15[%swap3A_215] {strides = array<i32>} : memref<80xi32, #tpu.memory_space<vmem>>, vector<16xi32>,
    %swap3A_217 = vector.shape_cast %swap3A_216 : vector<16xi32> to vector<16xi32>
    %swap3A_218 = vector.shape_cast %shift_right_logical3A_214 : vector<16xi32> to vector<16xi32>
    tpu.vector_store %arg15[%swap3A_215], %swap3A_218 {strides = array<i32>} : memref<80xi32, #tpu.memory_space<vmem>>, vector<16xi32>,
    %get3A_219 = arith.constant 64 : index
    %get3A_220 = tpu.vector_load %arg7[%get3A_219] {strides = array<i32>} : memref<80xi32, #tpu.memory_space<vmem>>, vector<16xi32>,
    %get3A_221 = vector.shape_cast %get3A_220 : vector<16xi32> to vector<16xi32>
    %and3A_222 = arith.constant 65535 : i32
    %and3A_223 = vector.broadcast %and3A_222 : i32 to vector<16xi32>
    %and3A_224 = arith.andi %get3A_221, %and3A_223 : vector<16xi32>
    %swap3A_225 = arith.constant 64 : index
    %swap3A_226 = tpu.vector_load %arg11[%swap3A_225] {strides = array<i32>} : memref<80xi32, #tpu.memory_space<vmem>>, vector<16xi32>,
    %swap3A_227 = vector.shape_cast %swap3A_226 : vector<16xi32> to vector<16xi32>
    %swap3A_228 = vector.shape_cast %and3A_224 : vector<16xi32> to vector<16xi32>
    tpu.vector_store %arg11[%swap3A_225], %swap3A_228 {strides = array<i32>} : memref<80xi32, #tpu.memory_space<vmem>>, vector<16xi32>,
    %shift_right_logical3A_229 = arith.constant 16 : i32
    %shift_right_logical3A_230 = vector.broadcast %shift_right_logical3A_229 : i32 to vector<16xi32>
    %shift_right_logical3A_231 = arith.shrui %get3A_221, %shift_right_logical3A_230 : vector<16xi32>
    %swap3A_232 = arith.constant 64 : index
    %swap3A_233 = tpu.vector_load %arg15[%swap3A_232] {strides = array<i32>} : memref<80xi32, #tpu.memory_space<vmem>>, vector<16xi32>,
    %swap3A_234 = vector.shape_cast %swap3A_233 : vector<16xi32> to vector<16xi32>
    %swap3A_235 = vector.shape_cast %shift_right_logical3A_231 : vector<16xi32> to vector<16xi32>
    tpu.vector_store %arg15[%swap3A_232], %swap3A_235 {strides = array<i32>} : memref<80xi32, #tpu.memory_space<vmem>>, vector<16xi32>,
    %dma_start3A_236 = arith.constant 0 : i32
    %dma_start3A_237 = arith.constant 0 : i32
    %dma_start3A_238 = tpu.memref_slice %arg3[%dma_start3A_236, %dma_start3A_237] : memref<10000x128xf32, #tpu.memory_space<hbm>> -> memref<10000x128xf32, #tpu.memory_space<hbm>>
    tpu.enqueue_indirect_dma source(%dma_start3A_238 : memref<10000x128xf32, #tpu.memory_space<hbm>>) target(%arg19 : memref<80x128xf32, #tpu.memory_space<vmem>>) offsets(%arg11 : memref<80xi32, #tpu.memory_space<vmem>>) semaphore(%arg27 : memref<!tpu.dma_semaphore, #tpu.memory_space<semaphore_mem>>)
    %add3A_239 = arith.constant 400 : i32
    %add3A_240 = arith.addi %mul3A_5, %add3A_239 : i32
    %dma_start3A_241 = tpu.memref_slice %arg2[%add3A_240] : memref<320000xi32, #tpu.memory_space<hbm>> -> memref<80xi32, #tpu.memory_space<hbm>>
    %dma_start3A_242 = tpu.memref_slice %arg2[%add3A_240] : memref<320000xi32, #tpu.memory_space<hbm>> -> memref<80xi32, #tpu.memory_space<hbm>>
    tpu.enqueue_dma source(%dma_start3A_242 : memref<80xi32, #tpu.memory_space<hbm>>) target(%arg7 : memref<80xi32, #tpu.memory_space<vmem>>) target_semaphore(%arg31 : memref<!tpu.dma_semaphore, #tpu.memory_space<semaphore_mem>>)
    %add3A_243 = arith.constant 160 : i32
    %add3A_244 = arith.addi %mul3A_5, %add3A_243 : i32
    %dma_wait3A_245 = tpu.memref_slice %arg2[%add3A_244] : memref<320000xi32, #tpu.memory_space<hbm>> -> memref<80xi32, #tpu.memory_space<hbm>>
    %dma_wait3A_246 = tpu.memref_slice %arg2[%add3A_244] : memref<320000xi32, #tpu.memory_space<hbm>> -> memref<80xi32, #tpu.memory_space<hbm>>
    tpu.wait_dma2 semaphore(%arg32 : memref<!tpu.dma_semaphore, #tpu.memory_space<semaphore_mem>>) src(%dma_wait3A_246 : memref<80xi32, #tpu.memory_space<hbm>>) dst(%arg8 : memref<80xi32, #tpu.memory_space<vmem>>)
    %get3A_247 = arith.constant 0 : index
    %get3A_248 = tpu.vector_load %arg8[%get3A_247] {strides = array<i32>} : memref<80xi32, #tpu.memory_space<vmem>>, vector<16xi32>,
    %get3A_249 = vector.shape_cast %get3A_248 : vector<16xi32> to vector<16xi32>
    %and3A_250 = arith.constant 65535 : i32
    %and3A_251 = vector.broadcast %and3A_250 : i32 to vector<16xi32>
    %and3A_252 = arith.andi %get3A_249, %and3A_251 : vector<16xi32>
    %swap3A_253 = arith.constant 0 : index
    %swap3A_254 = tpu.vector_load %arg12[%swap3A_253] {strides = array<i32>} : memref<80xi32, #tpu.memory_space<vmem>>, vector<16xi32>,
    %swap3A_255 = vector.shape_cast %swap3A_254 : vector<16xi32> to vector<16xi32>
    %swap3A_256 = vector.shape_cast %and3A_252 : vector<16xi32> to vector<16xi32>
    tpu.vector_store %arg12[%swap3A_253], %swap3A_256 {strides = array<i32>} : memref<80xi32, #tpu.memory_space<vmem>>, vector<16xi32>,
    %shift_right_logical3A_257 = arith.constant 16 : i32
    %shift_right_logical3A_258 = vector.broadcast %shift_right_logical3A_257 : i32 to vector<16xi32>
    %shift_right_logical3A_259 = arith.shrui %get3A_249, %shift_right_logical3A_258 : vector<16xi32>
    %swap3A_260 = arith.constant 0 : index
    %swap3A_261 = tpu.vector_load %arg16[%swap3A_260] {strides = array<i32>} : memref<80xi32, #tpu.memory_space<vmem>>, vector<16xi32>,
    %swap3A_262 = vector.shape_cast %swap3A_261 : vector<16xi32> to vector<16xi32>
    %swap3A_263 = vector.shape_cast %shift_right_logical3A_259 : vector<16xi32> to vector<16xi32>
    tpu.vector_store %arg16[%swap3A_260], %swap3A_263 {strides = array<i32>} : memref<80xi32, #tpu.memory_space<vmem>>, vector<16xi32>,
    %get3A_264 = arith.constant 16 : index
    %get3A_265 = tpu.vector_load %arg8[%get3A_264] {strides = array<i32>} : memref<80xi32, #tpu.memory_space<vmem>>, vector<16xi32>,
    %get3A_266 = vector.shape_cast %get3A_265 : vector<16xi32> to vector<16xi32>
    %and3A_267 = arith.constant 65535 : i32
    %and3A_268 = vector.broadcast %and3A_267 : i32 to vector<16xi32>
    %and3A_269 = arith.andi %get3A_266, %and3A_268 : vector<16xi32>
    %swap3A_270 = arith.constant 16 : index
    %swap3A_271 = tpu.vector_load %arg12[%swap3A_270] {strides = array<i32>} : memref<80xi32, #tpu.memory_space<vmem>>, vector<16xi32>,
    %swap3A_272 = vector.shape_cast %swap3A_271 : vector<16xi32> to vector<16xi32>
    %swap3A_273 = vector.shape_cast %and3A_269 : vector<16xi32> to vector<16xi32>
    tpu.vector_store %arg12[%swap3A_270], %swap3A_273 {strides = array<i32>} : memref<80xi32, #tpu.memory_space<vmem>>, vector<16xi32>,
    %shift_right_logical3A_274 = arith.constant 16 : i32
    %shift_right_logical3A_275 = vector.broadcast %shift_right_logical3A_274 : i32 to vector<16xi32>
    %shift_right_logical3A_276 = arith.shrui %get3A_266, %shift_right_logical3A_275 : vector<16xi32>
    %swap3A_277 = arith.constant 16 : index
    %swap3A_278 = tpu.vector_load %arg16[%swap3A_277] {strides = array<i32>} : memref<80xi32, #tpu.memory_space<vmem>>, vector<16xi32>,
    %swap3A_279 = vector.shape_cast %swap3A_278 : vector<16xi32> to vector<16xi32>
    %swap3A_280 = vector.shape_cast %shift_right_logical3A_276 : vector<16xi32> to vector<16xi32>
    tpu.vector_store %arg16[%swap3A_277], %swap3A_280 {strides = array<i32>} : memref<80xi32, #tpu.memory_space<vmem>>, vector<16xi32>,
    %get3A_281 = arith.constant 32 : index
    %get3A_282 = tpu.vector_load %arg8[%get3A_281] {strides = array<i32>} : memref<80xi32, #tpu.memory_space<vmem>>, vector<16xi32>,
    %get3A_283 = vector.shape_cast %get3A_282 : vector<16xi32> to vector<16xi32>
    %and3A_284 = arith.constant 65535 : i32
    %and3A_285 = vector.broadcast %and3A_284 : i32 to vector<16xi32>
    %and3A_286 = arith.andi %get3A_283, %and3A_285 : vector<16xi32>
    %swap3A_287 = arith.constant 32 : index
    %swap3A_288 = tpu.vector_load %arg12[%swap3A_287] {strides = array<i32>} : memref<80xi32, #tpu.memory_space<vmem>>, vector<16xi32>,
    %swap3A_289 = vector.shape_cast %swap3A_288 : vector<16xi32> to vector<16xi32>
    %swap3A_290 = vector.shape_cast %and3A_286 : vector<16xi32> to vector<16xi32>
    tpu.vector_store %arg12[%swap3A_287], %swap3A_290 {strides = array<i32>} : memref<80xi32, #tpu.memory_space<vmem>>, vector<16xi32>,
    %shift_right_logical3A_291 = arith.constant 16 : i32
    %shift_right_logical3A_292 = vector.broadcast %shift_right_logical3A_291 : i32 to vector<16xi32>
    %shift_right_logical3A_293 = arith.shrui %get3A_283, %shift_right_logical3A_292 : vector<16xi32>
    %swap3A_294 = arith.constant 32 : index
    %swap3A_295 = tpu.vector_load %arg16[%swap3A_294] {strides = array<i32>} : memref<80xi32, #tpu.memory_space<vmem>>, vector<16xi32>,
    %swap3A_296 = vector.shape_cast %swap3A_295 : vector<16xi32> to vector<16xi32>
    %swap3A_297 = vector.shape_cast %shift_right_logical3A_293 : vector<16xi32> to vector<16xi32>
    tpu.vector_store %arg16[%swap3A_294], %swap3A_297 {strides = array<i32>} : memref<80xi32, #tpu.memory_space<vmem>>, vector<16xi32>,
    %get3A_298 = arith.constant 48 : index
    %get3A_299 = tpu.vector_load %arg8[%get3A_298] {strides = array<i32>} : memref<80xi32, #tpu.memory_space<vmem>>, vector<16xi32>,
    %get3A_300 = vector.shape_cast %get3A_299 : vector<16xi32> to vector<16xi32>
    %and3A_301 = arith.constant 65535 : i32
    %and3A_302 = vector.broadcast %and3A_301 : i32 to vector<16xi32>
    %and3A_303 = arith.andi %get3A_300, %and3A_302 : vector<16xi32>
    %swap3A_304 = arith.constant 48 : index
    %swap3A_305 = tpu.vector_load %arg12[%swap3A_304] {strides = array<i32>} : memref<80xi32, #tpu.memory_space<vmem>>, vector<16xi32>,
    %swap3A_306 = vector.shape_cast %swap3A_305 : vector<16xi32> to vector<16xi32>
    %swap3A_307 = vector.shape_cast %and3A_303 : vector<16xi32> to vector<16xi32>
    tpu.vector_store %arg12[%swap3A_304], %swap3A_307 {strides = array<i32>} : memref<80xi32, #tpu.memory_space<vmem>>, vector<16xi32>,
    %shift_right_logical3A_308 = arith.constant 16 : i32
    %shift_right_logical3A_309 = vector.broadcast %shift_right_logical3A_308 : i32 to vector<16xi32>
    %shift_right_logical3A_310 = arith.shrui %get3A_300, %shift_right_logical3A_309 : vector<16xi32>
    %swap3A_311 = arith.constant 48 : index
    %swap3A_312 = tpu.vector_load %arg16[%swap3A_311] {strides = array<i32>} : memref<80xi32, #tpu.memory_space<vmem>>, vector<16xi32>,
    %swap3A_313 = vector.shape_cast %swap3A_312 : vector<16xi32> to vector<16xi32>
    %swap3A_314 = vector.shape_cast %shift_right_logical3A_310 : vector<16xi32> to vector<16xi32>
    tpu.vector_store %arg16[%swap3A_311], %swap3A_314 {strides = array<i32>} : memref<80xi32, #tpu.memory_space<vmem>>, vector<16xi32>,
    %get3A_315 = arith.constant 64 : index
    %get3A_316 = tpu.vector_load %arg8[%get3A_315] {strides = array<i32>} : memref<80xi32, #tpu.memory_space<vmem>>, vector<16xi32>,
    %get3A_317 = vector.shape_cast %get3A_316 : vector<16xi32> to vector<16xi32>
    %and3A_318 = arith.constant 65535 : i32
    %and3A_319 = vector.broadcast %and3A_318 : i32 to vector<16xi32>
    %and3A_320 = arith.andi %get3A_317, %and3A_319 : vector<16xi32>
    %swap3A_321 = arith.constant 64 : index
    %swap3A_322 = tpu.vector_load %arg12[%swap3A_321] {strides = array<i32>} : memref<80xi32, #tpu.memory_space<vmem>>, vector<16xi32>,
    %swap3A_323 = vector.shape_cast %swap3A_322 : vector<16xi32> to vector<16xi32>
    %swap3A_324 = vector.shape_cast %and3A_320 : vector<16xi32> to vector<16xi32>
    tpu.vector_store %arg12[%swap3A_321], %swap3A_324 {strides = array<i32>} : memref<80xi32, #tpu.memory_space<vmem>>, vector<16xi32>,
    %shift_right_logical3A_325 = arith.constant 16 : i32
    %shift_right_logical3A_326 = vector.broadcast %shift_right_logical3A_325 : i32 to vector<16xi32>
    %shift_right_logical3A_327 = arith.shrui %get3A_317, %shift_right_logical3A_326 : vector<16xi32>
    %swap3A_328 = arith.constant 64 : index
    %swap3A_329 = tpu.vector_load %arg16[%swap3A_328] {strides = array<i32>} : memref<80xi32, #tpu.memory_space<vmem>>, vector<16xi32>,
    %swap3A_330 = vector.shape_cast %swap3A_329 : vector<16xi32> to vector<16xi32>
    %swap3A_331 = vector.shape_cast %shift_right_logical3A_327 : vector<16xi32> to vector<16xi32>
    tpu.vector_store %arg16[%swap3A_328], %swap3A_331 {strides = array<i32>} : memref<80xi32, #tpu.memory_space<vmem>>, vector<16xi32>,
    %dma_start3A_332 = arith.constant 0 : i32
    %dma_start3A_333 = arith.constant 0 : i32
    %dma_start3A_334 = tpu.memref_slice %arg3[%dma_start3A_332, %dma_start3A_333] : memref<10000x128xf32, #tpu.memory_space<hbm>> -> memref<10000x128xf32, #tpu.memory_space<hbm>>
    tpu.enqueue_indirect_dma source(%dma_start3A_334 : memref<10000x128xf32, #tpu.memory_space<hbm>>) target(%arg20 : memref<80x128xf32, #tpu.memory_space<vmem>>) offsets(%arg12 : memref<80xi32, #tpu.memory_space<vmem>>) semaphore(%arg28 : memref<!tpu.dma_semaphore, #tpu.memory_space<semaphore_mem>>)
    %add3A_335 = arith.constant 480 : i32
    %add3A_336 = arith.addi %mul3A_5, %add3A_335 : i32
    %dma_start3A_337 = tpu.memref_slice %arg2[%add3A_336] : memref<320000xi32, #tpu.memory_space<hbm>> -> memref<80xi32, #tpu.memory_space<hbm>>
    %dma_start3A_338 = tpu.memref_slice %arg2[%add3A_336] : memref<320000xi32, #tpu.memory_space<hbm>> -> memref<80xi32, #tpu.memory_space<hbm>>
    tpu.enqueue_dma source(%dma_start3A_338 : memref<80xi32, #tpu.memory_space<hbm>>) target(%arg8 : memref<80xi32, #tpu.memory_space<vmem>>) target_semaphore(%arg32 : memref<!tpu.dma_semaphore, #tpu.memory_space<semaphore_mem>>)
    %add3A_339 = arith.constant 240 : i32
    %add3A_340 = arith.addi %mul3A_5, %add3A_339 : i32
    %dma_wait3A_341 = tpu.memref_slice %arg2[%add3A_340] : memref<320000xi32, #tpu.memory_space<hbm>> -> memref<80xi32, #tpu.memory_space<hbm>>
    %dma_wait3A_342 = tpu.memref_slice %arg2[%add3A_340] : memref<320000xi32, #tpu.memory_space<hbm>> -> memref<80xi32, #tpu.memory_space<hbm>>
    tpu.wait_dma2 semaphore(%arg33 : memref<!tpu.dma_semaphore, #tpu.memory_space<semaphore_mem>>) src(%dma_wait3A_342 : memref<80xi32, #tpu.memory_space<hbm>>) dst(%arg9 : memref<80xi32, #tpu.memory_space<vmem>>)
    %get3A_343 = arith.constant 0 : index
    %get3A_344 = tpu.vector_load %arg9[%get3A_343] {strides = array<i32>} : memref<80xi32, #tpu.memory_space<vmem>>, vector<16xi32>,
    %get3A_345 = vector.shape_cast %get3A_344 : vector<16xi32> to vector<16xi32>
    %and3A_346 = arith.constant 65535 : i32
    %and3A_347 = vector.broadcast %and3A_346 : i32 to vector<16xi32>
    %and3A_348 = arith.andi %get3A_345, %and3A_347 : vector<16xi32>
    %swap3A_349 = arith.constant 0 : index
    %swap3A_350 = tpu.vector_load %arg13[%swap3A_349] {strides = array<i32>} : memref<80xi32, #tpu.memory_space<vmem>>, vector<16xi32>,
    %swap3A_351 = vector.shape_cast %swap3A_350 : vector<16xi32> to vector<16xi32>
    %swap3A_352 = vector.shape_cast %and3A_348 : vector<16xi32> to vector<16xi32>
    tpu.vector_store %arg13[%swap3A_349], %swap3A_352 {strides = array<i32>} : memref<80xi32, #tpu.memory_space<vmem>>, vector<16xi32>,
    %shift_right_logical3A_353 = arith.constant 16 : i32
    %shift_right_logical3A_354 = vector.broadcast %shift_right_logical3A_353 : i32 to vector<16xi32>
    %shift_right_logical3A_355 = arith.shrui %get3A_345, %shift_right_logical3A_354 : vector<16xi32>
    %swap3A_356 = arith.constant 0 : index
    %swap3A_357 = tpu.vector_load %arg17[%swap3A_356] {strides = array<i32>} : memref<80xi32, #tpu.memory_space<vmem>>, vector<16xi32>,
    %swap3A_358 = vector.shape_cast %swap3A_357 : vector<16xi32> to vector<16xi32>
    %swap3A_359 = vector.shape_cast %shift_right_logical3A_355 : vector<16xi32> to vector<16xi32>
    tpu.vector_store %arg17[%swap3A_356], %swap3A_359 {strides = array<i32>} : memref<80xi32, #tpu.memory_space<vmem>>, vector<16xi32>,
    %get3A_360 = arith.constant 16 : index
    %get3A_361 = tpu.vector_load %arg9[%get3A_360] {strides = array<i32>} : memref<80xi32, #tpu.memory_space<vmem>>, vector<16xi32>,
    %get3A_362 = vector.shape_cast %get3A_361 : vector<16xi32> to vector<16xi32>
    %and3A_363 = arith.constant 65535 : i32
    %and3A_364 = vector.broadcast %and3A_363 : i32 to vector<16xi32>
    %and3A_365 = arith.andi %get3A_362, %and3A_364 : vector<16xi32>
    %swap3A_366 = arith.constant 16 : index
    %swap3A_367 = tpu.vector_load %arg13[%swap3A_366] {strides = array<i32>} : memref<80xi32, #tpu.memory_space<vmem>>, vector<16xi32>,
    %swap3A_368 = vector.shape_cast %swap3A_367 : vector<16xi32> to vector<16xi32>
    %swap3A_369 = vector.shape_cast %and3A_365 : vector<16xi32> to vector<16xi32>
    tpu.vector_store %arg13[%swap3A_366], %swap3A_369 {strides = array<i32>} : memref<80xi32, #tpu.memory_space<vmem>>, vector<16xi32>,
    %shift_right_logical3A_370 = arith.constant 16 : i32
    %shift_right_logical3A_371 = vector.broadcast %shift_right_logical3A_370 : i32 to vector<16xi32>
    %shift_right_logical3A_372 = arith.shrui %get3A_362, %shift_right_logical3A_371 : vector<16xi32>
    %swap3A_373 = arith.constant 16 : index
    %swap3A_374 = tpu.vector_load %arg17[%swap3A_373] {strides = array<i32>} : memref<80xi32, #tpu.memory_space<vmem>>, vector<16xi32>,
    %swap3A_375 = vector.shape_cast %swap3A_374 : vector<16xi32> to vector<16xi32>
    %swap3A_376 = vector.shape_cast %shift_right_logical3A_372 : vector<16xi32> to vector<16xi32>
    tpu.vector_store %arg17[%swap3A_373], %swap3A_376 {strides = array<i32>} : memref<80xi32, #tpu.memory_space<vmem>>, vector<16xi32>,
    %get3A_377 = arith.constant 32 : index
    %get3A_378 = tpu.vector_load %arg9[%get3A_377] {strides = array<i32>} : memref<80xi32, #tpu.memory_space<vmem>>, vector<16xi32>,
    %get3A_379 = vector.shape_cast %get3A_378 : vector<16xi32> to vector<16xi32>
    %and3A_380 = arith.constant 65535 : i32
    %and3A_381 = vector.broadcast %and3A_380 : i32 to vector<16xi32>
    %and3A_382 = arith.andi %get3A_379, %and3A_381 : vector<16xi32>
    %swap3A_383 = arith.constant 32 : index
    %swap3A_384 = tpu.vector_load %arg13[%swap3A_383] {strides = array<i32>} : memref<80xi32, #tpu.memory_space<vmem>>, vector<16xi32>,
    %swap3A_385 = vector.shape_cast %swap3A_384 : vector<16xi32> to vector<16xi32>
    %swap3A_386 = vector.shape_cast %and3A_382 : vector<16xi32> to vector<16xi32>
    tpu.vector_store %arg13[%swap3A_383], %swap3A_386 {strides = array<i32>} : memref<80xi32, #tpu.memory_space<vmem>>, vector<16xi32>,
    %shift_right_logical3A_387 = arith.constant 16 : i32
    %shift_right_logical3A_388 = vector.broadcast %shift_right_logical3A_387 : i32 to vector<16xi32>
    %shift_right_logical3A_389 = arith.shrui %get3A_379, %shift_right_logical3A_388 : vector<16xi32>
    %swap3A_390 = arith.constant 32 : index
    %swap3A_391 = tpu.vector_load %arg17[%swap3A_390] {strides = array<i32>} : memref<80xi32, #tpu.memory_space<vmem>>, vector<16xi32>,
    %swap3A_392 = vector.shape_cast %swap3A_391 : vector<16xi32> to vector<16xi32>
    %swap3A_393 = vector.shape_cast %shift_right_logical3A_389 : vector<16xi32> to vector<16xi32>
    tpu.vector_store %arg17[%swap3A_390], %swap3A_393 {strides = array<i32>} : memref<80xi32, #tpu.memory_space<vmem>>, vector<16xi32>,
    %get3A_394 = arith.constant 48 : index
    %get3A_395 = tpu.vector_load %arg9[%get3A_394] {strides = array<i32>} : memref<80xi32, #tpu.memory_space<vmem>>, vector<16xi32>,
    %get3A_396 = vector.shape_cast %get3A_395 : vector<16xi32> to vector<16xi32>
    %and3A_397 = arith.constant 65535 : i32
    %and3A_398 = vector.broadcast %and3A_397 : i32 to vector<16xi32>
    %and3A_399 = arith.andi %get3A_396, %and3A_398 : vector<16xi32>
    %swap3A_400 = arith.constant 48 : index
    %swap3A_401 = tpu.vector_load %arg13[%swap3A_400] {strides = array<i32>} : memref<80xi32, #tpu.memory_space<vmem>>, vector<16xi32>,
    %swap3A_402 = vector.shape_cast %swap3A_401 : vector<16xi32> to vector<16xi32>
    %swap3A_403 = vector.shape_cast %and3A_399 : vector<16xi32> to vector<16xi32>
    tpu.vector_store %arg13[%swap3A_400], %swap3A_403 {strides = array<i32>} : memref<80xi32, #tpu.memory_space<vmem>>, vector<16xi32>,
    %shift_right_logical3A_404 = arith.constant 16 : i32
    %shift_right_logical3A_405 = vector.broadcast %shift_right_logical3A_404 : i32 to vector<16xi32>
    %shift_right_logical3A_406 = arith.shrui %get3A_396, %shift_right_logical3A_405 : vector<16xi32>
    %swap3A_407 = arith.constant 48 : index
    %swap3A_408 = tpu.vector_load %arg17[%swap3A_407] {strides = array<i32>} : memref<80xi32, #tpu.memory_space<vmem>>, vector<16xi32>,
    %swap3A_409 = vector.shape_cast %swap3A_408 : vector<16xi32> to vector<16xi32>
    %swap3A_410 = vector.shape_cast %shift_right_logical3A_406 : vector<16xi32> to vector<16xi32>
    tpu.vector_store %arg17[%swap3A_407], %swap3A_410 {strides = array<i32>} : memref<80xi32, #tpu.memory_space<vmem>>, vector<16xi32>,
    %get3A_411 = arith.constant 64 : index
    %get3A_412 = tpu.vector_load %arg9[%get3A_411] {strides = array<i32>} : memref<80xi32, #tpu.memory_space<vmem>>, vector<16xi32>,
    %get3A_413 = vector.shape_cast %get3A_412 : vector<16xi32> to vector<16xi32>
    %and3A_414 = arith.constant 65535 : i32
    %and3A_415 = vector.broadcast %and3A_414 : i32 to vector<16xi32>
    %and3A_416 = arith.andi %get3A_413, %and3A_415 : vector<16xi32>
    %swap3A_417 = arith.constant 64 : index
    %swap3A_418 = tpu.vector_load %arg13[%swap3A_417] {strides = array<i32>} : memref<80xi32, #tpu.memory_space<vmem>>, vector<16xi32>,
    %swap3A_419 = vector.shape_cast %swap3A_418 : vector<16xi32> to vector<16xi32>
    %swap3A_420 = vector.shape_cast %and3A_416 : vector<16xi32> to vector<16xi32>
    tpu.vector_store %arg13[%swap3A_417], %swap3A_420 {strides = array<i32>} : memref<80xi32, #tpu.memory_space<vmem>>, vector<16xi32>,
    %shift_right_logical3A_421 = arith.constant 16 : i32
    %shift_right_logical3A_422 = vector.broadcast %shift_right_logical3A_421 : i32 to vector<16xi32>
    %shift_right_logical3A_423 = arith.shrui %get3A_413, %shift_right_logical3A_422 : vector<16xi32>
    %swap3A_424 = arith.constant 64 : index
    %swap3A_425 = tpu.vector_load %arg17[%swap3A_424] {strides = array<i32>} : memref<80xi32, #tpu.memory_space<vmem>>, vector<16xi32>,
    %swap3A_426 = vector.shape_cast %swap3A_425 : vector<16xi32> to vector<16xi32>
    %swap3A_427 = vector.shape_cast %shift_right_logical3A_423 : vector<16xi32> to vector<16xi32>
    tpu.vector_store %arg17[%swap3A_424], %swap3A_427 {strides = array<i32>} : memref<80xi32, #tpu.memory_space<vmem>>, vector<16xi32>,
    %dma_start3A_428 = arith.constant 0 : i32
    %dma_start3A_429 = arith.constant 0 : i32
    %dma_start3A_430 = tpu.memref_slice %arg3[%dma_start3A_428, %dma_start3A_429] : memref<10000x128xf32, #tpu.memory_space<hbm>> -> memref<10000x128xf32, #tpu.memory_space<hbm>>
    tpu.enqueue_indirect_dma source(%dma_start3A_430 : memref<10000x128xf32, #tpu.memory_space<hbm>>) target(%arg21 : memref<80x128xf32, #tpu.memory_space<vmem>>) offsets(%arg13 : memref<80xi32, #tpu.memory_space<vmem>>) semaphore(%arg29 : memref<!tpu.dma_semaphore, #tpu.memory_space<semaphore_mem>>)
    %add3A_431 = arith.constant 560 : i32
    %add3A_432 = arith.addi %mul3A_5, %add3A_431 : i32
    %dma_start3A_433 = tpu.memref_slice %arg2[%add3A_432] : memref<320000xi32, #tpu.memory_space<hbm>> -> memref<80xi32, #tpu.memory_space<hbm>>
    %dma_start3A_434 = tpu.memref_slice %arg2[%add3A_432] : memref<320000xi32, #tpu.memory_space<hbm>> -> memref<80xi32, #tpu.memory_space<hbm>>
    tpu.enqueue_dma source(%dma_start3A_434 : memref<80xi32, #tpu.memory_space<hbm>>) target(%arg9 : memref<80xi32, #tpu.memory_space<vmem>>) target_semaphore(%arg33 : memref<!tpu.dma_semaphore, #tpu.memory_space<semaphore_mem>>)
    %barrier3A = arith.constant 0 : index
    tpu.barrier barrier_id(%barrier3A)
    %scan3A_435 = arith.constant 0 : i32
    %scan3A_436 = arith.constant 0 : i32
    %scan3A_437 = arith.constant 31 : i32
    %scan3A_438 = arith.addi %scan3A_436, %scan3A_437 : i32
    %scan3A_439 = arith.constant 1 : i32
    scf.for %scan3A_450 = %scan3A_436 to %scan3A_438 step %scan3A_439  : i32 {
      %mul3A_451 = arith.constant 4 : i32
      %mul3A_452 = arith.muli %mul3A_451, %scan3A_450 : i32
      %add3A_453 = arith.constant 0 : i32
      %add3A_454 = arith.addi %mul3A_452, %add3A_453 : i32
      %dma_wait3A_455 = arith.constant 0 : i32
      %dma_wait3A_456 = arith.constant 0 : i32
      %dma_wait3A_457 = tpu.memref_slice %arg3[%dma_wait3A_455, %dma_wait3A_456] : memref<10000x128xf32, #tpu.memory_space<hbm>> -> memref<10000x128xf32, #tpu.memory_space<hbm>>
      tpu.wait_indirect_dma semaphore(%arg26 : memref<!tpu.dma_semaphore, #tpu.memory_space<semaphore_mem>>) src(%dma_wait3A_457 : memref<10000x128xf32, #tpu.memory_space<hbm>>) dst(%arg18 : memref<80x128xf32, #tpu.memory_space<vmem>>)
      "tpu.region"() ({
        %run_scoped3A = tpu.sem_alloc : memref<!tpu.dma_semaphore, #tpu.memory_space<semaphore_mem>>
        %dma_start3A_501 = arith.constant 0 : i32
        %dma_start3A_502 = arith.constant 0 : i32
        %dma_start3A_503 = tpu.memref_slice %arg24[%dma_start3A_501, %dma_start3A_502] : memref<10000x128xf32, #tpu.memory_space<vmem_shared>> -> memref<10000x128xf32, #tpu.memory_space<vmem_shared>>
        tpu.enqueue_indirect_dma source(%arg18 : memref<80x128xf32, #tpu.memory_space<vmem>>) target(%dma_start3A_503 : memref<10000x128xf32, #tpu.memory_space<vmem_shared>>) offsets(%arg14 : memref<80xi32, #tpu.memory_space<vmem>>) semaphore(%run_scoped3A : memref<!tpu.dma_semaphore, #tpu.memory_space<semaphore_mem>>) {add = true}
        %dma_wait3A_504 = arith.constant 0 : i32
        %dma_wait3A_505 = arith.constant 0 : i32
        %dma_wait3A_506 = tpu.memref_slice %arg24[%dma_wait3A_504, %dma_wait3A_505] : memref<10000x128xf32, #tpu.memory_space<vmem_shared>> -> memref<10000x128xf32, #tpu.memory_space<vmem_shared>>
        tpu.wait_indirect_dma semaphore(%run_scoped3A : memref<!tpu.dma_semaphore, #tpu.memory_space<semaphore_mem>>) src(%arg18 : memref<80x128xf32, #tpu.memory_space<vmem>>) dst(%dma_wait3A_506 : memref<10000x128xf32, #tpu.memory_space<vmem_shared>>)
        tpu.yield
      }) : () -> ()
      "tpu.region"() ({
        %run_scoped3A = tpu.sem_alloc : memref<!tpu.dma_semaphore, #tpu.memory_space<semaphore_mem>>
        %dma_start3A_501 = arith.constant 0 : i32
        %dma_start3A_502 = tpu.memref_slice %arg25[%dma_start3A_501] : memref<10000xf32, #tpu.memory_space<vmem_shared>> -> memref<10000xf32, #tpu.memory_space<vmem_shared>>
        tpu.enqueue_indirect_dma source(%arg23 : memref<80xf32, #tpu.memory_space<vmem>>) target(%dma_start3A_502 : memref<10000xf32, #tpu.memory_space<vmem_shared>>) offsets(%arg14 : memref<80xi32, #tpu.memory_space<vmem>>) semaphore(%run_scoped3A : memref<!tpu.dma_semaphore, #tpu.memory_space<semaphore_mem>>) {add = true}
        %dma_wait3A_503 = arith.constant 0 : i32
        %dma_wait3A_504 = tpu.memref_slice %arg25[%dma_wait3A_503] : memref<10000xf32, #tpu.memory_space<vmem_shared>> -> memref<10000xf32, #tpu.memory_space<vmem_shared>>
        tpu.wait_indirect_dma semaphore(%run_scoped3A : memref<!tpu.dma_semaphore, #tpu.memory_space<semaphore_mem>>) src(%arg23 : memref<80xf32, #tpu.memory_space<vmem>>) dst(%dma_wait3A_504 : memref<10000xf32, #tpu.memory_space<vmem_shared>>)
        tpu.yield
      }) : () -> ()
      %add3A_458 = arith.constant 4 : i32
      %add3A_459 = arith.addi %add3A_454, %add3A_458 : i32
      %lt3A_460 = arith.constant 125 : i32
      %lt3A_461 = arith.cmpi slt, %add3A_459, %lt3A_460 : i32
      %convert_element_type3A_462 = arith.extui %lt3A_461 : i1 to i32
      %cond3A_463 = arith.constant 0 : i32
      %cond3A_464 = arith.cmpi ne, %convert_element_type3A_462, %cond3A_463 : i32
      scf.if %cond3A_464 {
        %mul3A_501 = arith.constant 80 : i32
        %mul3A_502 = arith.muli %add3A_459, %mul3A_501 : i32
        %add3A_503 = arith.addi %mul3A_5, %mul3A_502 : i32
        %dma_wait3A_504 = tpu.memref_slice %arg2[%add3A_503] : memref<320000xi32, #tpu.memory_space<hbm>> -> memref<80xi32, #tpu.memory_space<hbm>>
        %dma_wait3A_505 = tpu.memref_slice %arg2[%add3A_503] : memref<320000xi32, #tpu.memory_space<hbm>> -> memref<80xi32, #tpu.memory_space<hbm>>
        tpu.wait_dma2 semaphore(%arg30 : memref<!tpu.dma_semaphore, #tpu.memory_space<semaphore_mem>>) src(%dma_wait3A_505 : memref<80xi32, #tpu.memory_space<hbm>>) dst(%arg6 : memref<80xi32, #tpu.memory_space<vmem>>)
        %get3A_506 = arith.constant 0 : index
        %get3A_507 = tpu.vector_load %arg6[%get3A_506] {strides = array<i32>} : memref<80xi32, #tpu.memory_space<vmem>>, vector<16xi32>,
        %get3A_508 = vector.shape_cast %get3A_507 : vector<16xi32> to vector<16xi32>
        %and3A_509 = arith.constant 65535 : i32
        %and3A_510 = vector.broadcast %and3A_509 : i32 to vector<16xi32>
        %and3A_511 = arith.andi %get3A_508, %and3A_510 : vector<16xi32>
        %swap3A_512 = arith.constant 0 : index
        %swap3A_513 = tpu.vector_load %arg10[%swap3A_512] {strides = array<i32>} : memref<80xi32, #tpu.memory_space<vmem>>, vector<16xi32>,
        %swap3A_514 = vector.shape_cast %swap3A_513 : vector<16xi32> to vector<16xi32>
        %swap3A_515 = vector.shape_cast %and3A_511 : vector<16xi32> to vector<16xi32>
        tpu.vector_store %arg10[%swap3A_512], %swap3A_515 {strides = array<i32>} : memref<80xi32, #tpu.memory_space<vmem>>, vector<16xi32>,
        %shift_right_logical3A_516 = arith.constant 16 : i32
        %shift_right_logical3A_517 = vector.broadcast %shift_right_logical3A_516 : i32 to vector<16xi32>
        %shift_right_logical3A_518 = arith.shrui %get3A_508, %shift_right_logical3A_517 : vector<16xi32>
        %swap3A_519 = arith.constant 0 : index
        %swap3A_520 = tpu.vector_load %arg14[%swap3A_519] {strides = array<i32>} : memref<80xi32, #tpu.memory_space<vmem>>, vector<16xi32>,
        %swap3A_521 = vector.shape_cast %swap3A_520 : vector<16xi32> to vector<16xi32>
        %swap3A_522 = vector.shape_cast %shift_right_logical3A_518 : vector<16xi32> to vector<16xi32>
        tpu.vector_store %arg14[%swap3A_519], %swap3A_522 {strides = array<i32>} : memref<80xi32, #tpu.memory_space<vmem>>, vector<16xi32>,
        %get3A_523 = arith.constant 16 : index
        %get3A_524 = tpu.vector_load %arg6[%get3A_523] {strides = array<i32>} : memref<80xi32, #tpu.memory_space<vmem>>, vector<16xi32>,
        %get3A_525 = vector.shape_cast %get3A_524 : vector<16xi32> to vector<16xi32>
        %and3A_526 = arith.constant 65535 : i32
        %and3A_527 = vector.broadcast %and3A_526 : i32 to vector<16xi32>
        %and3A_528 = arith.andi %get3A_525, %and3A_527 : vector<16xi32>
        %swap3A_529 = arith.constant 16 : index
        %swap3A_530 = tpu.vector_load %arg10[%swap3A_529] {strides = array<i32>} : memref<80xi32, #tpu.memory_space<vmem>>, vector<16xi32>,
        %swap3A_531 = vector.shape_cast %swap3A_530 : vector<16xi32> to vector<16xi32>
        %swap3A_532 = vector.shape_cast %and3A_528 : vector<16xi32> to vector<16xi32>
        tpu.vector_store %arg10[%swap3A_529], %swap3A_532 {strides = array<i32>} : memref<80xi32, #tpu.memory_space<vmem>>, vector<16xi32>,
        %shift_right_logical3A_533 = arith.constant 16 : i32
        %shift_right_logical3A_534 = vector.broadcast %shift_right_logical3A_533 : i32 to vector<16xi32>
        %shift_right_logical3A_535 = arith.shrui %get3A_525, %shift_right_logical3A_534 : vector<16xi32>
        %swap3A_536 = arith.constant 16 : index
        %swap3A_537 = tpu.vector_load %arg14[%swap3A_536] {strides = array<i32>} : memref<80xi32, #tpu.memory_space<vmem>>, vector<16xi32>,
        %swap3A_538 = vector.shape_cast %swap3A_537 : vector<16xi32> to vector<16xi32>
        %swap3A_539 = vector.shape_cast %shift_right_logical3A_535 : vector<16xi32> to vector<16xi32>
        tpu.vector_store %arg14[%swap3A_536], %swap3A_539 {strides = array<i32>} : memref<80xi32, #tpu.memory_space<vmem>>, vector<16xi32>,
        %get3A_540 = arith.constant 32 : index
        %get3A_541 = tpu.vector_load %arg6[%get3A_540] {strides = array<i32>} : memref<80xi32, #tpu.memory_space<vmem>>, vector<16xi32>,
        %get3A_542 = vector.shape_cast %get3A_541 : vector<16xi32> to vector<16xi32>
        %and3A_543 = arith.constant 65535 : i32
        %and3A_544 = vector.broadcast %and3A_543 : i32 to vector<16xi32>
        %and3A_545 = arith.andi %get3A_542, %and3A_544 : vector<16xi32>
        %swap3A_546 = arith.constant 32 : index
        %swap3A_547 = tpu.vector_load %arg10[%swap3A_546] {strides = array<i32>} : memref<80xi32, #tpu.memory_space<vmem>>, vector<16xi32>,
        %swap3A_548 = vector.shape_cast %swap3A_547 : vector<16xi32> to vector<16xi32>
        %swap3A_549 = vector.shape_cast %and3A_545 : vector<16xi32> to vector<16xi32>
        tpu.vector_store %arg10[%swap3A_546], %swap3A_549 {strides = array<i32>} : memref<80xi32, #tpu.memory_space<vmem>>, vector<16xi32>,
        %shift_right_logical3A_550 = arith.constant 16 : i32
        %shift_right_logical3A_551 = vector.broadcast %shift_right_logical3A_550 : i32 to vector<16xi32>
        %shift_right_logical3A_552 = arith.shrui %get3A_542, %shift_right_logical3A_551 : vector<16xi32>
        %swap3A_553 = arith.constant 32 : index
        %swap3A_554 = tpu.vector_load %arg14[%swap3A_553] {strides = array<i32>} : memref<80xi32, #tpu.memory_space<vmem>>, vector<16xi32>,
        %swap3A_555 = vector.shape_cast %swap3A_554 : vector<16xi32> to vector<16xi32>
        %swap3A_556 = vector.shape_cast %shift_right_logical3A_552 : vector<16xi32> to vector<16xi32>
        tpu.vector_store %arg14[%swap3A_553], %swap3A_556 {strides = array<i32>} : memref<80xi32, #tpu.memory_space<vmem>>, vector<16xi32>,
        %get3A_557 = arith.constant 48 : index
        %get3A_558 = tpu.vector_load %arg6[%get3A_557] {strides = array<i32>} : memref<80xi32, #tpu.memory_space<vmem>>, vector<16xi32>,
        %get3A_559 = vector.shape_cast %get3A_558 : vector<16xi32> to vector<16xi32>
        %and3A_560 = arith.constant 65535 : i32
        %and3A_561 = vector.broadcast %and3A_560 : i32 to vector<16xi32>
        %and3A_562 = arith.andi %get3A_559, %and3A_561 : vector<16xi32>
        %swap3A_563 = arith.constant 48 : index
        %swap3A_564 = tpu.vector_load %arg10[%swap3A_563] {strides = array<i32>} : memref<80xi32, #tpu.memory_space<vmem>>, vector<16xi32>,
        %swap3A_565 = vector.shape_cast %swap3A_564 : vector<16xi32> to vector<16xi32>
        %swap3A_566 = vector.shape_cast %and3A_562 : vector<16xi32> to vector<16xi32>
        tpu.vector_store %arg10[%swap3A_563], %swap3A_566 {strides = array<i32>} : memref<80xi32, #tpu.memory_space<vmem>>, vector<16xi32>,
        %shift_right_logical3A_567 = arith.constant 16 : i32
        %shift_right_logical3A_568 = vector.broadcast %shift_right_logical3A_567 : i32 to vector<16xi32>
        %shift_right_logical3A_569 = arith.shrui %get3A_559, %shift_right_logical3A_568 : vector<16xi32>
        %swap3A_570 = arith.constant 48 : index
        %swap3A_571 = tpu.vector_load %arg14[%swap3A_570] {strides = array<i32>} : memref<80xi32, #tpu.memory_space<vmem>>, vector<16xi32>,
        %swap3A_572 = vector.shape_cast %swap3A_571 : vector<16xi32> to vector<16xi32>
        %swap3A_573 = vector.shape_cast %shift_right_logical3A_569 : vector<16xi32> to vector<16xi32>
        tpu.vector_store %arg14[%swap3A_570], %swap3A_573 {strides = array<i32>} : memref<80xi32, #tpu.memory_space<vmem>>, vector<16xi32>,
        %get3A_574 = arith.constant 64 : index
        %get3A_575 = tpu.vector_load %arg6[%get3A_574] {strides = array<i32>} : memref<80xi32, #tpu.memory_space<vmem>>, vector<16xi32>,
        %get3A_576 = vector.shape_cast %get3A_575 : vector<16xi32> to vector<16xi32>
        %and3A_577 = arith.constant 65535 : i32
        %and3A_578 = vector.broadcast %and3A_577 : i32 to vector<16xi32>
        %and3A_579 = arith.andi %get3A_576, %and3A_578 : vector<16xi32>
        %swap3A_580 = arith.constant 64 : index
        %swap3A_581 = tpu.vector_load %arg10[%swap3A_580] {strides = array<i32>} : memref<80xi32, #tpu.memory_space<vmem>>, vector<16xi32>,
        %swap3A_582 = vector.shape_cast %swap3A_581 : vector<16xi32> to vector<16xi32>
        %swap3A_583 = vector.shape_cast %and3A_579 : vector<16xi32> to vector<16xi32>
        tpu.vector_store %arg10[%swap3A_580], %swap3A_583 {strides = array<i32>} : memref<80xi32, #tpu.memory_space<vmem>>, vector<16xi32>,
        %shift_right_logical3A_584 = arith.constant 16 : i32
        %shift_right_logical3A_585 = vector.broadcast %shift_right_logical3A_584 : i32 to vector<16xi32>
        %shift_right_logical3A_586 = arith.shrui %get3A_576, %shift_right_logical3A_585 : vector<16xi32>
        %swap3A_587 = arith.constant 64 : index
        %swap3A_588 = tpu.vector_load %arg14[%swap3A_587] {strides = array<i32>} : memref<80xi32, #tpu.memory_space<vmem>>, vector<16xi32>,
        %swap3A_589 = vector.shape_cast %swap3A_588 : vector<16xi32> to vector<16xi32>
        %swap3A_590 = vector.shape_cast %shift_right_logical3A_586 : vector<16xi32> to vector<16xi32>
        tpu.vector_store %arg14[%swap3A_587], %swap3A_590 {strides = array<i32>} : memref<80xi32, #tpu.memory_space<vmem>>, vector<16xi32>,
        %dma_start3A_591 = arith.constant 0 : i32
        %dma_start3A_592 = arith.constant 0 : i32
        %dma_start3A_593 = tpu.memref_slice %arg3[%dma_start3A_591, %dma_start3A_592] : memref<10000x128xf32, #tpu.memory_space<hbm>> -> memref<10000x128xf32, #tpu.memory_space<hbm>>
        tpu.enqueue_indirect_dma source(%dma_start3A_593 : memref<10000x128xf32, #tpu.memory_space<hbm>>) target(%arg18 : memref<80x128xf32, #tpu.memory_space<vmem>>) offsets(%arg10 : memref<80xi32, #tpu.memory_space<vmem>>) semaphore(%arg26 : memref<!tpu.dma_semaphore, #tpu.memory_space<semaphore_mem>>)
        %add3A_594 = arith.constant 8 : i32
        %add3A_595 = arith.addi %add3A_454, %add3A_594 : i32
        %lt3A_596 = arith.constant 125 : i32
        %lt3A_597 = arith.cmpi slt, %add3A_595, %lt3A_596 : i32
        %convert_element_type3A_598 = arith.extui %lt3A_597 : i1 to i32
        %cond3A_599 = arith.constant 0 : i32
        %cond3A_600 = arith.cmpi ne, %convert_element_type3A_598, %cond3A_599 : i32
        scf.if %cond3A_600 {
          %mul3A_601 = arith.constant 80 : i32
          %mul3A_602 = arith.muli %add3A_595, %mul3A_601 : i32
          %add3A_603 = arith.addi %mul3A_5, %mul3A_602 : i32
          %dma_start3A_604 = tpu.memref_slice %arg2[%add3A_603] : memref<320000xi32, #tpu.memory_space<hbm>> -> memref<80xi32, #tpu.memory_space<hbm>>
          %dma_start3A_605 = tpu.memref_slice %arg2[%add3A_603] : memref<320000xi32, #tpu.memory_space<hbm>> -> memref<80xi32, #tpu.memory_space<hbm>>
          tpu.enqueue_dma source(%dma_start3A_605 : memref<80xi32, #tpu.memory_space<hbm>>) target(%arg6 : memref<80xi32, #tpu.memory_space<vmem>>) target_semaphore(%arg30 : memref<!tpu.dma_semaphore, #tpu.memory_space<semaphore_mem>>)
        } else {
        }
      } else {
      }
      %add3A_465 = arith.constant 1 : i32
      %add3A_466 = arith.addi %mul3A_452, %add3A_465 : i32
      %dma_wait3A_467 = arith.constant 0 : i32
      %dma_wait3A_468 = arith.constant 0 : i32
      %dma_wait3A_469 = tpu.memref_slice %arg3[%dma_wait3A_467, %dma_wait3A_468] : memref<10000x128xf32, #tpu.memory_space<hbm>> -> memref<10000x128xf32, #tpu.memory_space<hbm>>
      tpu.wait_indirect_dma semaphore(%arg27 : memref<!tpu.dma_semaphore, #tpu.memory_space<semaphore_mem>>) src(%dma_wait3A_469 : memref<10000x128xf32, #tpu.memory_space<hbm>>) dst(%arg19 : memref<80x128xf32, #tpu.memory_space<vmem>>)
      "tpu.region"() ({
        %run_scoped3A = tpu.sem_alloc : memref<!tpu.dma_semaphore, #tpu.memory_space<semaphore_mem>>
        %dma_start3A_501 = arith.constant 0 : i32
        %dma_start3A_502 = arith.constant 0 : i32
        %dma_start3A_503 = tpu.memref_slice %arg24[%dma_start3A_501, %dma_start3A_502] : memref<10000x128xf32, #tpu.memory_space<vmem_shared>> -> memref<10000x128xf32, #tpu.memory_space<vmem_shared>>
        tpu.enqueue_indirect_dma source(%arg19 : memref<80x128xf32, #tpu.memory_space<vmem>>) target(%dma_start3A_503 : memref<10000x128xf32, #tpu.memory_space<vmem_shared>>) offsets(%arg15 : memref<80xi32, #tpu.memory_space<vmem>>) semaphore(%run_scoped3A : memref<!tpu.dma_semaphore, #tpu.memory_space<semaphore_mem>>) {add = true}
        %dma_wait3A_504 = arith.constant 0 : i32
        %dma_wait3A_505 = arith.constant 0 : i32
        %dma_wait3A_506 = tpu.memref_slice %arg24[%dma_wait3A_504, %dma_wait3A_505] : memref<10000x128xf32, #tpu.memory_space<vmem_shared>> -> memref<10000x128xf32, #tpu.memory_space<vmem_shared>>
        tpu.wait_indirect_dma semaphore(%run_scoped3A : memref<!tpu.dma_semaphore, #tpu.memory_space<semaphore_mem>>) src(%arg19 : memref<80x128xf32, #tpu.memory_space<vmem>>) dst(%dma_wait3A_506 : memref<10000x128xf32, #tpu.memory_space<vmem_shared>>)
        tpu.yield
      }) : () -> ()
      "tpu.region"() ({
        %run_scoped3A = tpu.sem_alloc : memref<!tpu.dma_semaphore, #tpu.memory_space<semaphore_mem>>
        %dma_start3A_501 = arith.constant 0 : i32
        %dma_start3A_502 = tpu.memref_slice %arg25[%dma_start3A_501] : memref<10000xf32, #tpu.memory_space<vmem_shared>> -> memref<10000xf32, #tpu.memory_space<vmem_shared>>
        tpu.enqueue_indirect_dma source(%arg23 : memref<80xf32, #tpu.memory_space<vmem>>) target(%dma_start3A_502 : memref<10000xf32, #tpu.memory_space<vmem_shared>>) offsets(%arg15 : memref<80xi32, #tpu.memory_space<vmem>>) semaphore(%run_scoped3A : memref<!tpu.dma_semaphore, #tpu.memory_space<semaphore_mem>>) {add = true}
        %dma_wait3A_503 = arith.constant 0 : i32
        %dma_wait3A_504 = tpu.memref_slice %arg25[%dma_wait3A_503] : memref<10000xf32, #tpu.memory_space<vmem_shared>> -> memref<10000xf32, #tpu.memory_space<vmem_shared>>
        tpu.wait_indirect_dma semaphore(%run_scoped3A : memref<!tpu.dma_semaphore, #tpu.memory_space<semaphore_mem>>) src(%arg23 : memref<80xf32, #tpu.memory_space<vmem>>) dst(%dma_wait3A_504 : memref<10000xf32, #tpu.memory_space<vmem_shared>>)
        tpu.yield
      }) : () -> ()
      %add3A_470 = arith.constant 4 : i32
      %add3A_471 = arith.addi %add3A_466, %add3A_470 : i32
      %lt3A_472 = arith.constant 125 : i32
      %lt3A_473 = arith.cmpi slt, %add3A_471, %lt3A_472 : i32
      %convert_element_type3A_474 = arith.extui %lt3A_473 : i1 to i32
      %cond3A_475 = arith.constant 0 : i32
      %cond3A_476 = arith.cmpi ne, %convert_element_type3A_474, %cond3A_475 : i32
      scf.if %cond3A_476 {
        %mul3A_501 = arith.constant 80 : i32
        %mul3A_502 = arith.muli %add3A_471, %mul3A_501 : i32
        %add3A_503 = arith.addi %mul3A_5, %mul3A_502 : i32
        %dma_wait3A_504 = tpu.memref_slice %arg2[%add3A_503] : memref<320000xi32, #tpu.memory_space<hbm>> -> memref<80xi32, #tpu.memory_space<hbm>>
        %dma_wait3A_505 = tpu.memref_slice %arg2[%add3A_503] : memref<320000xi32, #tpu.memory_space<hbm>> -> memref<80xi32, #tpu.memory_space<hbm>>
        tpu.wait_dma2 semaphore(%arg31 : memref<!tpu.dma_semaphore, #tpu.memory_space<semaphore_mem>>) src(%dma_wait3A_505 : memref<80xi32, #tpu.memory_space<hbm>>) dst(%arg7 : memref<80xi32, #tpu.memory_space<vmem>>)
        %get3A_506 = arith.constant 0 : index
        %get3A_507 = tpu.vector_load %arg7[%get3A_506] {strides = array<i32>} : memref<80xi32, #tpu.memory_space<vmem>>, vector<16xi32>,
        %get3A_508 = vector.shape_cast %get3A_507 : vector<16xi32> to vector<16xi32>
        %and3A_509 = arith.constant 65535 : i32
        %and3A_510 = vector.broadcast %and3A_509 : i32 to vector<16xi32>
        %and3A_511 = arith.andi %get3A_508, %and3A_510 : vector<16xi32>
        %swap3A_512 = arith.constant 0 : index
        %swap3A_513 = tpu.vector_load %arg11[%swap3A_512] {strides = array<i32>} : memref<80xi32, #tpu.memory_space<vmem>>, vector<16xi32>,
        %swap3A_514 = vector.shape_cast %swap3A_513 : vector<16xi32> to vector<16xi32>
        %swap3A_515 = vector.shape_cast %and3A_511 : vector<16xi32> to vector<16xi32>
        tpu.vector_store %arg11[%swap3A_512], %swap3A_515 {strides = array<i32>} : memref<80xi32, #tpu.memory_space<vmem>>, vector<16xi32>,
        %shift_right_logical3A_516 = arith.constant 16 : i32
        %shift_right_logical3A_517 = vector.broadcast %shift_right_logical3A_516 : i32 to vector<16xi32>
        %shift_right_logical3A_518 = arith.shrui %get3A_508, %shift_right_logical3A_517 : vector<16xi32>
        %swap3A_519 = arith.constant 0 : index
        %swap3A_520 = tpu.vector_load %arg15[%swap3A_519] {strides = array<i32>} : memref<80xi32, #tpu.memory_space<vmem>>, vector<16xi32>,
        %swap3A_521 = vector.shape_cast %swap3A_520 : vector<16xi32> to vector<16xi32>
        %swap3A_522 = vector.shape_cast %shift_right_logical3A_518 : vector<16xi32> to vector<16xi32>
        tpu.vector_store %arg15[%swap3A_519], %swap3A_522 {strides = array<i32>} : memref<80xi32, #tpu.memory_space<vmem>>, vector<16xi32>,
        %get3A_523 = arith.constant 16 : index
        %get3A_524 = tpu.vector_load %arg7[%get3A_523] {strides = array<i32>} : memref<80xi32, #tpu.memory_space<vmem>>, vector<16xi32>,
        %get3A_525 = vector.shape_cast %get3A_524 : vector<16xi32> to vector<16xi32>
        %and3A_526 = arith.constant 65535 : i32
        %and3A_527 = vector.broadcast %and3A_526 : i32 to vector<16xi32>
        %and3A_528 = arith.andi %get3A_525, %and3A_527 : vector<16xi32>
        %swap3A_529 = arith.constant 16 : index
        %swap3A_530 = tpu.vector_load %arg11[%swap3A_529] {strides = array<i32>} : memref<80xi32, #tpu.memory_space<vmem>>, vector<16xi32>,
        %swap3A_531 = vector.shape_cast %swap3A_530 : vector<16xi32> to vector<16xi32>
        %swap3A_532 = vector.shape_cast %and3A_528 : vector<16xi32> to vector<16xi32>
        tpu.vector_store %arg11[%swap3A_529], %swap3A_532 {strides = array<i32>} : memref<80xi32, #tpu.memory_space<vmem>>, vector<16xi32>,
        %shift_right_logical3A_533 = arith.constant 16 : i32
        %shift_right_logical3A_534 = vector.broadcast %shift_right_logical3A_533 : i32 to vector<16xi32>
        %shift_right_logical3A_535 = arith.shrui %get3A_525, %shift_right_logical3A_534 : vector<16xi32>
        %swap3A_536 = arith.constant 16 : index
        %swap3A_537 = tpu.vector_load %arg15[%swap3A_536] {strides = array<i32>} : memref<80xi32, #tpu.memory_space<vmem>>, vector<16xi32>,
        %swap3A_538 = vector.shape_cast %swap3A_537 : vector<16xi32> to vector<16xi32>
        %swap3A_539 = vector.shape_cast %shift_right_logical3A_535 : vector<16xi32> to vector<16xi32>
        tpu.vector_store %arg15[%swap3A_536], %swap3A_539 {strides = array<i32>} : memref<80xi32, #tpu.memory_space<vmem>>, vector<16xi32>,
        %get3A_540 = arith.constant 32 : index
        %get3A_541 = tpu.vector_load %arg7[%get3A_540] {strides = array<i32>} : memref<80xi32, #tpu.memory_space<vmem>>, vector<16xi32>,
        %get3A_542 = vector.shape_cast %get3A_541 : vector<16xi32> to vector<16xi32>
        %and3A_543 = arith.constant 65535 : i32
        %and3A_544 = vector.broadcast %and3A_543 : i32 to vector<16xi32>
        %and3A_545 = arith.andi %get3A_542, %and3A_544 : vector<16xi32>
        %swap3A_546 = arith.constant 32 : index
        %swap3A_547 = tpu.vector_load %arg11[%swap3A_546] {strides = array<i32>} : memref<80xi32, #tpu.memory_space<vmem>>, vector<16xi32>,
        %swap3A_548 = vector.shape_cast %swap3A_547 : vector<16xi32> to vector<16xi32>
        %swap3A_549 = vector.shape_cast %and3A_545 : vector<16xi32> to vector<16xi32>
        tpu.vector_store %arg11[%swap3A_546], %swap3A_549 {strides = array<i32>} : memref<80xi32, #tpu.memory_space<vmem>>, vector<16xi32>,
        %shift_right_logical3A_550 = arith.constant 16 : i32
        %shift_right_logical3A_551 = vector.broadcast %shift_right_logical3A_550 : i32 to vector<16xi32>
        %shift_right_logical3A_552 = arith.shrui %get3A_542, %shift_right_logical3A_551 : vector<16xi32>
        %swap3A_553 = arith.constant 32 : index
        %swap3A_554 = tpu.vector_load %arg15[%swap3A_553] {strides = array<i32>} : memref<80xi32, #tpu.memory_space<vmem>>, vector<16xi32>,
        %swap3A_555 = vector.shape_cast %swap3A_554 : vector<16xi32> to vector<16xi32>
        %swap3A_556 = vector.shape_cast %shift_right_logical3A_552 : vector<16xi32> to vector<16xi32>
        tpu.vector_store %arg15[%swap3A_553], %swap3A_556 {strides = array<i32>} : memref<80xi32, #tpu.memory_space<vmem>>, vector<16xi32>,
        %get3A_557 = arith.constant 48 : index
        %get3A_558 = tpu.vector_load %arg7[%get3A_557] {strides = array<i32>} : memref<80xi32, #tpu.memory_space<vmem>>, vector<16xi32>,
        %get3A_559 = vector.shape_cast %get3A_558 : vector<16xi32> to vector<16xi32>
        %and3A_560 = arith.constant 65535 : i32
        %and3A_561 = vector.broadcast %and3A_560 : i32 to vector<16xi32>
        %and3A_562 = arith.andi %get3A_559, %and3A_561 : vector<16xi32>
        %swap3A_563 = arith.constant 48 : index
        %swap3A_564 = tpu.vector_load %arg11[%swap3A_563] {strides = array<i32>} : memref<80xi32, #tpu.memory_space<vmem>>, vector<16xi32>,
        %swap3A_565 = vector.shape_cast %swap3A_564 : vector<16xi32> to vector<16xi32>
        %swap3A_566 = vector.shape_cast %and3A_562 : vector<16xi32> to vector<16xi32>
        tpu.vector_store %arg11[%swap3A_563], %swap3A_566 {strides = array<i32>} : memref<80xi32, #tpu.memory_space<vmem>>, vector<16xi32>,
        %shift_right_logical3A_567 = arith.constant 16 : i32
        %shift_right_logical3A_568 = vector.broadcast %shift_right_logical3A_567 : i32 to vector<16xi32>
        %shift_right_logical3A_569 = arith.shrui %get3A_559, %shift_right_logical3A_568 : vector<16xi32>
        %swap3A_570 = arith.constant 48 : index
        %swap3A_571 = tpu.vector_load %arg15[%swap3A_570] {strides = array<i32>} : memref<80xi32, #tpu.memory_space<vmem>>, vector<16xi32>,
        %swap3A_572 = vector.shape_cast %swap3A_571 : vector<16xi32> to vector<16xi32>
        %swap3A_573 = vector.shape_cast %shift_right_logical3A_569 : vector<16xi32> to vector<16xi32>
        tpu.vector_store %arg15[%swap3A_570], %swap3A_573 {strides = array<i32>} : memref<80xi32, #tpu.memory_space<vmem>>, vector<16xi32>,
        %get3A_574 = arith.constant 64 : index
        %get3A_575 = tpu.vector_load %arg7[%get3A_574] {strides = array<i32>} : memref<80xi32, #tpu.memory_space<vmem>>, vector<16xi32>,
        %get3A_576 = vector.shape_cast %get3A_575 : vector<16xi32> to vector<16xi32>
        %and3A_577 = arith.constant 65535 : i32
        %and3A_578 = vector.broadcast %and3A_577 : i32 to vector<16xi32>
        %and3A_579 = arith.andi %get3A_576, %and3A_578 : vector<16xi32>
        %swap3A_580 = arith.constant 64 : index
        %swap3A_581 = tpu.vector_load %arg11[%swap3A_580] {strides = array<i32>} : memref<80xi32, #tpu.memory_space<vmem>>, vector<16xi32>,
        %swap3A_582 = vector.shape_cast %swap3A_581 : vector<16xi32> to vector<16xi32>
        %swap3A_583 = vector.shape_cast %and3A_579 : vector<16xi32> to vector<16xi32>
        tpu.vector_store %arg11[%swap3A_580], %swap3A_583 {strides = array<i32>} : memref<80xi32, #tpu.memory_space<vmem>>, vector<16xi32>,
        %shift_right_logical3A_584 = arith.constant 16 : i32
        %shift_right_logical3A_585 = vector.broadcast %shift_right_logical3A_584 : i32 to vector<16xi32>
        %shift_right_logical3A_586 = arith.shrui %get3A_576, %shift_right_logical3A_585 : vector<16xi32>
        %swap3A_587 = arith.constant 64 : index
        %swap3A_588 = tpu.vector_load %arg15[%swap3A_587] {strides = array<i32>} : memref<80xi32, #tpu.memory_space<vmem>>, vector<16xi32>,
        %swap3A_589 = vector.shape_cast %swap3A_588 : vector<16xi32> to vector<16xi32>
        %swap3A_590 = vector.shape_cast %shift_right_logical3A_586 : vector<16xi32> to vector<16xi32>
        tpu.vector_store %arg15[%swap3A_587], %swap3A_590 {strides = array<i32>} : memref<80xi32, #tpu.memory_space<vmem>>, vector<16xi32>,
        %dma_start3A_591 = arith.constant 0 : i32
        %dma_start3A_592 = arith.constant 0 : i32
        %dma_start3A_593 = tpu.memref_slice %arg3[%dma_start3A_591, %dma_start3A_592] : memref<10000x128xf32, #tpu.memory_space<hbm>> -> memref<10000x128xf32, #tpu.memory_space<hbm>>
        tpu.enqueue_indirect_dma source(%dma_start3A_593 : memref<10000x128xf32, #tpu.memory_space<hbm>>) target(%arg19 : memref<80x128xf32, #tpu.memory_space<vmem>>) offsets(%arg11 : memref<80xi32, #tpu.memory_space<vmem>>) semaphore(%arg27 : memref<!tpu.dma_semaphore, #tpu.memory_space<semaphore_mem>>)
        %add3A_594 = arith.constant 8 : i32
        %add3A_595 = arith.addi %add3A_466, %add3A_594 : i32
        %lt3A_596 = arith.constant 125 : i32
        %lt3A_597 = arith.cmpi slt, %add3A_595, %lt3A_596 : i32
        %convert_element_type3A_598 = arith.extui %lt3A_597 : i1 to i32
        %cond3A_599 = arith.constant 0 : i32
        %cond3A_600 = arith.cmpi ne, %convert_element_type3A_598, %cond3A_599 : i32
        scf.if %cond3A_600 {
          %mul3A_601 = arith.constant 80 : i32
          %mul3A_602 = arith.muli %add3A_595, %mul3A_601 : i32
          %add3A_603 = arith.addi %mul3A_5, %mul3A_602 : i32
          %dma_start3A_604 = tpu.memref_slice %arg2[%add3A_603] : memref<320000xi32, #tpu.memory_space<hbm>> -> memref<80xi32, #tpu.memory_space<hbm>>
          %dma_start3A_605 = tpu.memref_slice %arg2[%add3A_603] : memref<320000xi32, #tpu.memory_space<hbm>> -> memref<80xi32, #tpu.memory_space<hbm>>
          tpu.enqueue_dma source(%dma_start3A_605 : memref<80xi32, #tpu.memory_space<hbm>>) target(%arg7 : memref<80xi32, #tpu.memory_space<vmem>>) target_semaphore(%arg31 : memref<!tpu.dma_semaphore, #tpu.memory_space<semaphore_mem>>)
        } else {
        }
      } else {
      }
      %add3A_477 = arith.constant 2 : i32
      %add3A_478 = arith.addi %mul3A_452, %add3A_477 : i32
      %dma_wait3A_479 = arith.constant 0 : i32
      %dma_wait3A_480 = arith.constant 0 : i32
      %dma_wait3A_481 = tpu.memref_slice %arg3[%dma_wait3A_479, %dma_wait3A_480] : memref<10000x128xf32, #tpu.memory_space<hbm>> -> memref<10000x128xf32, #tpu.memory_space<hbm>>
      tpu.wait_indirect_dma semaphore(%arg28 : memref<!tpu.dma_semaphore, #tpu.memory_space<semaphore_mem>>) src(%dma_wait3A_481 : memref<10000x128xf32, #tpu.memory_space<hbm>>) dst(%arg20 : memref<80x128xf32, #tpu.memory_space<vmem>>)
      "tpu.region"() ({
        %run_scoped3A = tpu.sem_alloc : memref<!tpu.dma_semaphore, #tpu.memory_space<semaphore_mem>>
        %dma_start3A_501 = arith.constant 0 : i32
        %dma_start3A_502 = arith.constant 0 : i32
        %dma_start3A_503 = tpu.memref_slice %arg24[%dma_start3A_501, %dma_start3A_502] : memref<10000x128xf32, #tpu.memory_space<vmem_shared>> -> memref<10000x128xf32, #tpu.memory_space<vmem_shared>>
        tpu.enqueue_indirect_dma source(%arg20 : memref<80x128xf32, #tpu.memory_space<vmem>>) target(%dma_start3A_503 : memref<10000x128xf32, #tpu.memory_space<vmem_shared>>) offsets(%arg16 : memref<80xi32, #tpu.memory_space<vmem>>) semaphore(%run_scoped3A : memref<!tpu.dma_semaphore, #tpu.memory_space<semaphore_mem>>) {add = true}
        %dma_wait3A_504 = arith.constant 0 : i32
        %dma_wait3A_505 = arith.constant 0 : i32
        %dma_wait3A_506 = tpu.memref_slice %arg24[%dma_wait3A_504, %dma_wait3A_505] : memref<10000x128xf32, #tpu.memory_space<vmem_shared>> -> memref<10000x128xf32, #tpu.memory_space<vmem_shared>>
        tpu.wait_indirect_dma semaphore(%run_scoped3A : memref<!tpu.dma_semaphore, #tpu.memory_space<semaphore_mem>>) src(%arg20 : memref<80x128xf32, #tpu.memory_space<vmem>>) dst(%dma_wait3A_506 : memref<10000x128xf32, #tpu.memory_space<vmem_shared>>)
        tpu.yield
      }) : () -> ()
      "tpu.region"() ({
        %run_scoped3A = tpu.sem_alloc : memref<!tpu.dma_semaphore, #tpu.memory_space<semaphore_mem>>
        %dma_start3A_501 = arith.constant 0 : i32
        %dma_start3A_502 = tpu.memref_slice %arg25[%dma_start3A_501] : memref<10000xf32, #tpu.memory_space<vmem_shared>> -> memref<10000xf32, #tpu.memory_space<vmem_shared>>
        tpu.enqueue_indirect_dma source(%arg23 : memref<80xf32, #tpu.memory_space<vmem>>) target(%dma_start3A_502 : memref<10000xf32, #tpu.memory_space<vmem_shared>>) offsets(%arg16 : memref<80xi32, #tpu.memory_space<vmem>>) semaphore(%run_scoped3A : memref<!tpu.dma_semaphore, #tpu.memory_space<semaphore_mem>>) {add = true}
        %dma_wait3A_503 = arith.constant 0 : i32
        %dma_wait3A_504 = tpu.memref_slice %arg25[%dma_wait3A_503] : memref<10000xf32, #tpu.memory_space<vmem_shared>> -> memref<10000xf32, #tpu.memory_space<vmem_shared>>
        tpu.wait_indirect_dma semaphore(%run_scoped3A : memref<!tpu.dma_semaphore, #tpu.memory_space<semaphore_mem>>) src(%arg23 : memref<80xf32, #tpu.memory_space<vmem>>) dst(%dma_wait3A_504 : memref<10000xf32, #tpu.memory_space<vmem_shared>>)
        tpu.yield
      }) : () -> ()
      %add3A_482 = arith.constant 4 : i32
      %add3A_483 = arith.addi %add3A_478, %add3A_482 : i32
      %lt3A_484 = arith.constant 125 : i32
      %lt3A_485 = arith.cmpi slt, %add3A_483, %lt3A_484 : i32
      %convert_element_type3A_486 = arith.extui %lt3A_485 : i1 to i32
      %cond3A_487 = arith.constant 0 : i32
      %cond3A_488 = arith.cmpi ne, %convert_element_type3A_486, %cond3A_487 : i32
      scf.if %cond3A_488 {
        %mul3A_501 = arith.constant 80 : i32
        %mul3A_502 = arith.muli %add3A_483, %mul3A_501 : i32
        %add3A_503 = arith.addi %mul3A_5, %mul3A_502 : i32
        %dma_wait3A_504 = tpu.memref_slice %arg2[%add3A_503] : memref<320000xi32, #tpu.memory_space<hbm>> -> memref<80xi32, #tpu.memory_space<hbm>>
        %dma_wait3A_505 = tpu.memref_slice %arg2[%add3A_503] : memref<320000xi32, #tpu.memory_space<hbm>> -> memref<80xi32, #tpu.memory_space<hbm>>
        tpu.wait_dma2 semaphore(%arg32 : memref<!tpu.dma_semaphore, #tpu.memory_space<semaphore_mem>>) src(%dma_wait3A_505 : memref<80xi32, #tpu.memory_space<hbm>>) dst(%arg8 : memref<80xi32, #tpu.memory_space<vmem>>)
        %get3A_506 = arith.constant 0 : index
        %get3A_507 = tpu.vector_load %arg8[%get3A_506] {strides = array<i32>} : memref<80xi32, #tpu.memory_space<vmem>>, vector<16xi32>,
        %get3A_508 = vector.shape_cast %get3A_507 : vector<16xi32> to vector<16xi32>
        %and3A_509 = arith.constant 65535 : i32
        %and3A_510 = vector.broadcast %and3A_509 : i32 to vector<16xi32>
        %and3A_511 = arith.andi %get3A_508, %and3A_510 : vector<16xi32>
        %swap3A_512 = arith.constant 0 : index
        %swap3A_513 = tpu.vector_load %arg12[%swap3A_512] {strides = array<i32>} : memref<80xi32, #tpu.memory_space<vmem>>, vector<16xi32>,
        %swap3A_514 = vector.shape_cast %swap3A_513 : vector<16xi32> to vector<16xi32>
        %swap3A_515 = vector.shape_cast %and3A_511 : vector<16xi32> to vector<16xi32>
        tpu.vector_store %arg12[%swap3A_512], %swap3A_515 {strides = array<i32>} : memref<80xi32, #tpu.memory_space<vmem>>, vector<16xi32>,
        %shift_right_logical3A_516 = arith.constant 16 : i32
        %shift_right_logical3A_517 = vector.broadcast %shift_right_logical3A_516 : i32 to vector<16xi32>
        %shift_right_logical3A_518 = arith.shrui %get3A_508, %shift_right_logical3A_517 : vector<16xi32>
        %swap3A_519 = arith.constant 0 : index
        %swap3A_520 = tpu.vector_load %arg16[%swap3A_519] {strides = array<i32>} : memref<80xi32, #tpu.memory_space<vmem>>, vector<16xi32>,
        %swap3A_521 = vector.shape_cast %swap3A_520 : vector<16xi32> to vector<16xi32>
        %swap3A_522 = vector.shape_cast %shift_right_logical3A_518 : vector<16xi32> to vector<16xi32>
        tpu.vector_store %arg16[%swap3A_519], %swap3A_522 {strides = array<i32>} : memref<80xi32, #tpu.memory_space<vmem>>, vector<16xi32>,
        %get3A_523 = arith.constant 16 : index
        %get3A_524 = tpu.vector_load %arg8[%get3A_523] {strides = array<i32>} : memref<80xi32, #tpu.memory_space<vmem>>, vector<16xi32>,
        %get3A_525 = vector.shape_cast %get3A_524 : vector<16xi32> to vector<16xi32>
        %and3A_526 = arith.constant 65535 : i32
        %and3A_527 = vector.broadcast %and3A_526 : i32 to vector<16xi32>
        %and3A_528 = arith.andi %get3A_525, %and3A_527 : vector<16xi32>
        %swap3A_529 = arith.constant 16 : index
        %swap3A_530 = tpu.vector_load %arg12[%swap3A_529] {strides = array<i32>} : memref<80xi32, #tpu.memory_space<vmem>>, vector<16xi32>,
        %swap3A_531 = vector.shape_cast %swap3A_530 : vector<16xi32> to vector<16xi32>
        %swap3A_532 = vector.shape_cast %and3A_528 : vector<16xi32> to vector<16xi32>
        tpu.vector_store %arg12[%swap3A_529], %swap3A_532 {strides = array<i32>} : memref<80xi32, #tpu.memory_space<vmem>>, vector<16xi32>,
        %shift_right_logical3A_533 = arith.constant 16 : i32
        %shift_right_logical3A_534 = vector.broadcast %shift_right_logical3A_533 : i32 to vector<16xi32>
        %shift_right_logical3A_535 = arith.shrui %get3A_525, %shift_right_logical3A_534 : vector<16xi32>
        %swap3A_536 = arith.constant 16 : index
        %swap3A_537 = tpu.vector_load %arg16[%swap3A_536] {strides = array<i32>} : memref<80xi32, #tpu.memory_space<vmem>>, vector<16xi32>,
        %swap3A_538 = vector.shape_cast %swap3A_537 : vector<16xi32> to vector<16xi32>
        %swap3A_539 = vector.shape_cast %shift_right_logical3A_535 : vector<16xi32> to vector<16xi32>
        tpu.vector_store %arg16[%swap3A_536], %swap3A_539 {strides = array<i32>} : memref<80xi32, #tpu.memory_space<vmem>>, vector<16xi32>,
        %get3A_540 = arith.constant 32 : index
        %get3A_541 = tpu.vector_load %arg8[%get3A_540] {strides = array<i32>} : memref<80xi32, #tpu.memory_space<vmem>>, vector<16xi32>,
        %get3A_542 = vector.shape_cast %get3A_541 : vector<16xi32> to vector<16xi32>
        %and3A_543 = arith.constant 65535 : i32
        %and3A_544 = vector.broadcast %and3A_543 : i32 to vector<16xi32>
        %and3A_545 = arith.andi %get3A_542, %and3A_544 : vector<16xi32>
        %swap3A_546 = arith.constant 32 : index
        %swap3A_547 = tpu.vector_load %arg12[%swap3A_546] {strides = array<i32>} : memref<80xi32, #tpu.memory_space<vmem>>, vector<16xi32>,
        %swap3A_548 = vector.shape_cast %swap3A_547 : vector<16xi32> to vector<16xi32>
        %swap3A_549 = vector.shape_cast %and3A_545 : vector<16xi32> to vector<16xi32>
        tpu.vector_store %arg12[%swap3A_546], %swap3A_549 {strides = array<i32>} : memref<80xi32, #tpu.memory_space<vmem>>, vector<16xi32>,
        %shift_right_logical3A_550 = arith.constant 16 : i32
        %shift_right_logical3A_551 = vector.broadcast %shift_right_logical3A_550 : i32 to vector<16xi32>
        %shift_right_logical3A_552 = arith.shrui %get3A_542, %shift_right_logical3A_551 : vector<16xi32>
        %swap3A_553 = arith.constant 32 : index
        %swap3A_554 = tpu.vector_load %arg16[%swap3A_553] {strides = array<i32>} : memref<80xi32, #tpu.memory_space<vmem>>, vector<16xi32>,
        %swap3A_555 = vector.shape_cast %swap3A_554 : vector<16xi32> to vector<16xi32>
        %swap3A_556 = vector.shape_cast %shift_right_logical3A_552 : vector<16xi32> to vector<16xi32>
        tpu.vector_store %arg16[%swap3A_553], %swap3A_556 {strides = array<i32>} : memref<80xi32, #tpu.memory_space<vmem>>, vector<16xi32>,
        %get3A_557 = arith.constant 48 : index
        %get3A_558 = tpu.vector_load %arg8[%get3A_557] {strides = array<i32>} : memref<80xi32, #tpu.memory_space<vmem>>, vector<16xi32>,
        %get3A_559 = vector.shape_cast %get3A_558 : vector<16xi32> to vector<16xi32>
        %and3A_560 = arith.constant 65535 : i32
        %and3A_561 = vector.broadcast %and3A_560 : i32 to vector<16xi32>
        %and3A_562 = arith.andi %get3A_559, %and3A_561 : vector<16xi32>
        %swap3A_563 = arith.constant 48 : index
        %swap3A_564 = tpu.vector_load %arg12[%swap3A_563] {strides = array<i32>} : memref<80xi32, #tpu.memory_space<vmem>>, vector<16xi32>,
        %swap3A_565 = vector.shape_cast %swap3A_564 : vector<16xi32> to vector<16xi32>
        %swap3A_566 = vector.shape_cast %and3A_562 : vector<16xi32> to vector<16xi32>
        tpu.vector_store %arg12[%swap3A_563], %swap3A_566 {strides = array<i32>} : memref<80xi32, #tpu.memory_space<vmem>>, vector<16xi32>,
        %shift_right_logical3A_567 = arith.constant 16 : i32
        %shift_right_logical3A_568 = vector.broadcast %shift_right_logical3A_567 : i32 to vector<16xi32>
        %shift_right_logical3A_569 = arith.shrui %get3A_559, %shift_right_logical3A_568 : vector<16xi32>
        %swap3A_570 = arith.constant 48 : index
        %swap3A_571 = tpu.vector_load %arg16[%swap3A_570] {strides = array<i32>} : memref<80xi32, #tpu.memory_space<vmem>>, vector<16xi32>,
        %swap3A_572 = vector.shape_cast %swap3A_571 : vector<16xi32> to vector<16xi32>
        %swap3A_573 = vector.shape_cast %shift_right_logical3A_569 : vector<16xi32> to vector<16xi32>
        tpu.vector_store %arg16[%swap3A_570], %swap3A_573 {strides = array<i32>} : memref<80xi32, #tpu.memory_space<vmem>>, vector<16xi32>,
        %get3A_574 = arith.constant 64 : index
        %get3A_575 = tpu.vector_load %arg8[%get3A_574] {strides = array<i32>} : memref<80xi32, #tpu.memory_space<vmem>>, vector<16xi32>,
        %get3A_576 = vector.shape_cast %get3A_575 : vector<16xi32> to vector<16xi32>
        %and3A_577 = arith.constant 65535 : i32
        %and3A_578 = vector.broadcast %and3A_577 : i32 to vector<16xi32>
        %and3A_579 = arith.andi %get3A_576, %and3A_578 : vector<16xi32>
        %swap3A_580 = arith.constant 64 : index
        %swap3A_581 = tpu.vector_load %arg12[%swap3A_580] {strides = array<i32>} : memref<80xi32, #tpu.memory_space<vmem>>, vector<16xi32>,
        %swap3A_582 = vector.shape_cast %swap3A_581 : vector<16xi32> to vector<16xi32>
        %swap3A_583 = vector.shape_cast %and3A_579 : vector<16xi32> to vector<16xi32>
        tpu.vector_store %arg12[%swap3A_580], %swap3A_583 {strides = array<i32>} : memref<80xi32, #tpu.memory_space<vmem>>, vector<16xi32>,
        %shift_right_logical3A_584 = arith.constant 16 : i32
        %shift_right_logical3A_585 = vector.broadcast %shift_right_logical3A_584 : i32 to vector<16xi32>
        %shift_right_logical3A_586 = arith.shrui %get3A_576, %shift_right_logical3A_585 : vector<16xi32>
        %swap3A_587 = arith.constant 64 : index
        %swap3A_588 = tpu.vector_load %arg16[%swap3A_587] {strides = array<i32>} : memref<80xi32, #tpu.memory_space<vmem>>, vector<16xi32>,
        %swap3A_589 = vector.shape_cast %swap3A_588 : vector<16xi32> to vector<16xi32>
        %swap3A_590 = vector.shape_cast %shift_right_logical3A_586 : vector<16xi32> to vector<16xi32>
        tpu.vector_store %arg16[%swap3A_587], %swap3A_590 {strides = array<i32>} : memref<80xi32, #tpu.memory_space<vmem>>, vector<16xi32>,
        %dma_start3A_591 = arith.constant 0 : i32
        %dma_start3A_592 = arith.constant 0 : i32
        %dma_start3A_593 = tpu.memref_slice %arg3[%dma_start3A_591, %dma_start3A_592] : memref<10000x128xf32, #tpu.memory_space<hbm>> -> memref<10000x128xf32, #tpu.memory_space<hbm>>
        tpu.enqueue_indirect_dma source(%dma_start3A_593 : memref<10000x128xf32, #tpu.memory_space<hbm>>) target(%arg20 : memref<80x128xf32, #tpu.memory_space<vmem>>) offsets(%arg12 : memref<80xi32, #tpu.memory_space<vmem>>) semaphore(%arg28 : memref<!tpu.dma_semaphore, #tpu.memory_space<semaphore_mem>>)
        %add3A_594 = arith.constant 8 : i32
        %add3A_595 = arith.addi %add3A_478, %add3A_594 : i32
        %lt3A_596 = arith.constant 125 : i32
        %lt3A_597 = arith.cmpi slt, %add3A_595, %lt3A_596 : i32
        %convert_element_type3A_598 = arith.extui %lt3A_597 : i1 to i32
        %cond3A_599 = arith.constant 0 : i32
        %cond3A_600 = arith.cmpi ne, %convert_element_type3A_598, %cond3A_599 : i32
        scf.if %cond3A_600 {
          %mul3A_601 = arith.constant 80 : i32
          %mul3A_602 = arith.muli %add3A_595, %mul3A_601 : i32
          %add3A_603 = arith.addi %mul3A_5, %mul3A_602 : i32
          %dma_start3A_604 = tpu.memref_slice %arg2[%add3A_603] : memref<320000xi32, #tpu.memory_space<hbm>> -> memref<80xi32, #tpu.memory_space<hbm>>
          %dma_start3A_605 = tpu.memref_slice %arg2[%add3A_603] : memref<320000xi32, #tpu.memory_space<hbm>> -> memref<80xi32, #tpu.memory_space<hbm>>
          tpu.enqueue_dma source(%dma_start3A_605 : memref<80xi32, #tpu.memory_space<hbm>>) target(%arg8 : memref<80xi32, #tpu.memory_space<vmem>>) target_semaphore(%arg32 : memref<!tpu.dma_semaphore, #tpu.memory_space<semaphore_mem>>)
        } else {
        }
      } else {
      }
      %add3A_489 = arith.constant 3 : i32
      %add3A_490 = arith.addi %mul3A_452, %add3A_489 : i32
      %dma_wait3A_491 = arith.constant 0 : i32
      %dma_wait3A_492 = arith.constant 0 : i32
      %dma_wait3A_493 = tpu.memref_slice %arg3[%dma_wait3A_491, %dma_wait3A_492] : memref<10000x128xf32, #tpu.memory_space<hbm>> -> memref<10000x128xf32, #tpu.memory_space<hbm>>
      tpu.wait_indirect_dma semaphore(%arg29 : memref<!tpu.dma_semaphore, #tpu.memory_space<semaphore_mem>>) src(%dma_wait3A_493 : memref<10000x128xf32, #tpu.memory_space<hbm>>) dst(%arg21 : memref<80x128xf32, #tpu.memory_space<vmem>>)
      "tpu.region"() ({
        %run_scoped3A = tpu.sem_alloc : memref<!tpu.dma_semaphore, #tpu.memory_space<semaphore_mem>>
        %dma_start3A_501 = arith.constant 0 : i32
        %dma_start3A_502 = arith.constant 0 : i32
        %dma_start3A_503 = tpu.memref_slice %arg24[%dma_start3A_501, %dma_start3A_502] : memref<10000x128xf32, #tpu.memory_space<vmem_shared>> -> memref<10000x128xf32, #tpu.memory_space<vmem_shared>>
        tpu.enqueue_indirect_dma source(%arg21 : memref<80x128xf32, #tpu.memory_space<vmem>>) target(%dma_start3A_503 : memref<10000x128xf32, #tpu.memory_space<vmem_shared>>) offsets(%arg17 : memref<80xi32, #tpu.memory_space<vmem>>) semaphore(%run_scoped3A : memref<!tpu.dma_semaphore, #tpu.memory_space<semaphore_mem>>) {add = true}
        %dma_wait3A_504 = arith.constant 0 : i32
        %dma_wait3A_505 = arith.constant 0 : i32
        %dma_wait3A_506 = tpu.memref_slice %arg24[%dma_wait3A_504, %dma_wait3A_505] : memref<10000x128xf32, #tpu.memory_space<vmem_shared>> -> memref<10000x128xf32, #tpu.memory_space<vmem_shared>>
        tpu.wait_indirect_dma semaphore(%run_scoped3A : memref<!tpu.dma_semaphore, #tpu.memory_space<semaphore_mem>>) src(%arg21 : memref<80x128xf32, #tpu.memory_space<vmem>>) dst(%dma_wait3A_506 : memref<10000x128xf32, #tpu.memory_space<vmem_shared>>)
        tpu.yield
      }) : () -> ()
      "tpu.region"() ({
        %run_scoped3A = tpu.sem_alloc : memref<!tpu.dma_semaphore, #tpu.memory_space<semaphore_mem>>
        %dma_start3A_501 = arith.constant 0 : i32
        %dma_start3A_502 = tpu.memref_slice %arg25[%dma_start3A_501] : memref<10000xf32, #tpu.memory_space<vmem_shared>> -> memref<10000xf32, #tpu.memory_space<vmem_shared>>
        tpu.enqueue_indirect_dma source(%arg23 : memref<80xf32, #tpu.memory_space<vmem>>) target(%dma_start3A_502 : memref<10000xf32, #tpu.memory_space<vmem_shared>>) offsets(%arg17 : memref<80xi32, #tpu.memory_space<vmem>>) semaphore(%run_scoped3A : memref<!tpu.dma_semaphore, #tpu.memory_space<semaphore_mem>>) {add = true}
        %dma_wait3A_503 = arith.constant 0 : i32
        %dma_wait3A_504 = tpu.memref_slice %arg25[%dma_wait3A_503] : memref<10000xf32, #tpu.memory_space<vmem_shared>> -> memref<10000xf32, #tpu.memory_space<vmem_shared>>
        tpu.wait_indirect_dma semaphore(%run_scoped3A : memref<!tpu.dma_semaphore, #tpu.memory_space<semaphore_mem>>) src(%arg23 : memref<80xf32, #tpu.memory_space<vmem>>) dst(%dma_wait3A_504 : memref<10000xf32, #tpu.memory_space<vmem_shared>>)
        tpu.yield
      }) : () -> ()
      %add3A_494 = arith.constant 4 : i32
      %add3A_495 = arith.addi %add3A_490, %add3A_494 : i32
      %lt3A_496 = arith.constant 125 : i32
      %lt3A_497 = arith.cmpi slt, %add3A_495, %lt3A_496 : i32
      %convert_element_type3A_498 = arith.extui %lt3A_497 : i1 to i32
      %cond3A_499 = arith.constant 0 : i32
      %cond3A_500 = arith.cmpi ne, %convert_element_type3A_498, %cond3A_499 : i32
      scf.if %cond3A_500 {
        %mul3A_501 = arith.constant 80 : i32
        %mul3A_502 = arith.muli %add3A_495, %mul3A_501 : i32
        %add3A_503 = arith.addi %mul3A_5, %mul3A_502 : i32
        %dma_wait3A_504 = tpu.memref_slice %arg2[%add3A_503] : memref<320000xi32, #tpu.memory_space<hbm>> -> memref<80xi32, #tpu.memory_space<hbm>>
        %dma_wait3A_505 = tpu.memref_slice %arg2[%add3A_503] : memref<320000xi32, #tpu.memory_space<hbm>> -> memref<80xi32, #tpu.memory_space<hbm>>
        tpu.wait_dma2 semaphore(%arg33 : memref<!tpu.dma_semaphore, #tpu.memory_space<semaphore_mem>>) src(%dma_wait3A_505 : memref<80xi32, #tpu.memory_space<hbm>>) dst(%arg9 : memref<80xi32, #tpu.memory_space<vmem>>)
        %get3A_506 = arith.constant 0 : index
        %get3A_507 = tpu.vector_load %arg9[%get3A_506] {strides = array<i32>} : memref<80xi32, #tpu.memory_space<vmem>>, vector<16xi32>,
        %get3A_508 = vector.shape_cast %get3A_507 : vector<16xi32> to vector<16xi32>
        %and3A_509 = arith.constant 65535 : i32
        %and3A_510 = vector.broadcast %and3A_509 : i32 to vector<16xi32>
        %and3A_511 = arith.andi %get3A_508, %and3A_510 : vector<16xi32>
        %swap3A_512 = arith.constant 0 : index
        %swap3A_513 = tpu.vector_load %arg13[%swap3A_512] {strides = array<i32>} : memref<80xi32, #tpu.memory_space<vmem>>, vector<16xi32>,
        %swap3A_514 = vector.shape_cast %swap3A_513 : vector<16xi32> to vector<16xi32>
        %swap3A_515 = vector.shape_cast %and3A_511 : vector<16xi32> to vector<16xi32>
        tpu.vector_store %arg13[%swap3A_512], %swap3A_515 {strides = array<i32>} : memref<80xi32, #tpu.memory_space<vmem>>, vector<16xi32>,
        %shift_right_logical3A_516 = arith.constant 16 : i32
        %shift_right_logical3A_517 = vector.broadcast %shift_right_logical3A_516 : i32 to vector<16xi32>
        %shift_right_logical3A_518 = arith.shrui %get3A_508, %shift_right_logical3A_517 : vector<16xi32>
        %swap3A_519 = arith.constant 0 : index
        %swap3A_520 = tpu.vector_load %arg17[%swap3A_519] {strides = array<i32>} : memref<80xi32, #tpu.memory_space<vmem>>, vector<16xi32>,
        %swap3A_521 = vector.shape_cast %swap3A_520 : vector<16xi32> to vector<16xi32>
        %swap3A_522 = vector.shape_cast %shift_right_logical3A_518 : vector<16xi32> to vector<16xi32>
        tpu.vector_store %arg17[%swap3A_519], %swap3A_522 {strides = array<i32>} : memref<80xi32, #tpu.memory_space<vmem>>, vector<16xi32>,
        %get3A_523 = arith.constant 16 : index
        %get3A_524 = tpu.vector_load %arg9[%get3A_523] {strides = array<i32>} : memref<80xi32, #tpu.memory_space<vmem>>, vector<16xi32>,
        %get3A_525 = vector.shape_cast %get3A_524 : vector<16xi32> to vector<16xi32>
        %and3A_526 = arith.constant 65535 : i32
        %and3A_527 = vector.broadcast %and3A_526 : i32 to vector<16xi32>
        %and3A_528 = arith.andi %get3A_525, %and3A_527 : vector<16xi32>
        %swap3A_529 = arith.constant 16 : index
        %swap3A_530 = tpu.vector_load %arg13[%swap3A_529] {strides = array<i32>} : memref<80xi32, #tpu.memory_space<vmem>>, vector<16xi32>,
        %swap3A_531 = vector.shape_cast %swap3A_530 : vector<16xi32> to vector<16xi32>
        %swap3A_532 = vector.shape_cast %and3A_528 : vector<16xi32> to vector<16xi32>
        tpu.vector_store %arg13[%swap3A_529], %swap3A_532 {strides = array<i32>} : memref<80xi32, #tpu.memory_space<vmem>>, vector<16xi32>,
        %shift_right_logical3A_533 = arith.constant 16 : i32
        %shift_right_logical3A_534 = vector.broadcast %shift_right_logical3A_533 : i32 to vector<16xi32>
        %shift_right_logical3A_535 = arith.shrui %get3A_525, %shift_right_logical3A_534 : vector<16xi32>
        %swap3A_536 = arith.constant 16 : index
        %swap3A_537 = tpu.vector_load %arg17[%swap3A_536] {strides = array<i32>} : memref<80xi32, #tpu.memory_space<vmem>>, vector<16xi32>,
        %swap3A_538 = vector.shape_cast %swap3A_537 : vector<16xi32> to vector<16xi32>
        %swap3A_539 = vector.shape_cast %shift_right_logical3A_535 : vector<16xi32> to vector<16xi32>
        tpu.vector_store %arg17[%swap3A_536], %swap3A_539 {strides = array<i32>} : memref<80xi32, #tpu.memory_space<vmem>>, vector<16xi32>,
        %get3A_540 = arith.constant 32 : index
        %get3A_541 = tpu.vector_load %arg9[%get3A_540] {strides = array<i32>} : memref<80xi32, #tpu.memory_space<vmem>>, vector<16xi32>,
        %get3A_542 = vector.shape_cast %get3A_541 : vector<16xi32> to vector<16xi32>
        %and3A_543 = arith.constant 65535 : i32
        %and3A_544 = vector.broadcast %and3A_543 : i32 to vector<16xi32>
        %and3A_545 = arith.andi %get3A_542, %and3A_544 : vector<16xi32>
        %swap3A_546 = arith.constant 32 : index
        %swap3A_547 = tpu.vector_load %arg13[%swap3A_546] {strides = array<i32>} : memref<80xi32, #tpu.memory_space<vmem>>, vector<16xi32>,
        %swap3A_548 = vector.shape_cast %swap3A_547 : vector<16xi32> to vector<16xi32>
        %swap3A_549 = vector.shape_cast %and3A_545 : vector<16xi32> to vector<16xi32>
        tpu.vector_store %arg13[%swap3A_546], %swap3A_549 {strides = array<i32>} : memref<80xi32, #tpu.memory_space<vmem>>, vector<16xi32>,
        %shift_right_logical3A_550 = arith.constant 16 : i32
        %shift_right_logical3A_551 = vector.broadcast %shift_right_logical3A_550 : i32 to vector<16xi32>
        %shift_right_logical3A_552 = arith.shrui %get3A_542, %shift_right_logical3A_551 : vector<16xi32>
        %swap3A_553 = arith.constant 32 : index
        %swap3A_554 = tpu.vector_load %arg17[%swap3A_553] {strides = array<i32>} : memref<80xi32, #tpu.memory_space<vmem>>, vector<16xi32>,
        %swap3A_555 = vector.shape_cast %swap3A_554 : vector<16xi32> to vector<16xi32>
        %swap3A_556 = vector.shape_cast %shift_right_logical3A_552 : vector<16xi32> to vector<16xi32>
        tpu.vector_store %arg17[%swap3A_553], %swap3A_556 {strides = array<i32>} : memref<80xi32, #tpu.memory_space<vmem>>, vector<16xi32>,
        %get3A_557 = arith.constant 48 : index
        %get3A_558 = tpu.vector_load %arg9[%get3A_557] {strides = array<i32>} : memref<80xi32, #tpu.memory_space<vmem>>, vector<16xi32>,
        %get3A_559 = vector.shape_cast %get3A_558 : vector<16xi32> to vector<16xi32>
        %and3A_560 = arith.constant 65535 : i32
        %and3A_561 = vector.broadcast %and3A_560 : i32 to vector<16xi32>
        %and3A_562 = arith.andi %get3A_559, %and3A_561 : vector<16xi32>
        %swap3A_563 = arith.constant 48 : index
        %swap3A_564 = tpu.vector_load %arg13[%swap3A_563] {strides = array<i32>} : memref<80xi32, #tpu.memory_space<vmem>>, vector<16xi32>,
        %swap3A_565 = vector.shape_cast %swap3A_564 : vector<16xi32> to vector<16xi32>
        %swap3A_566 = vector.shape_cast %and3A_562 : vector<16xi32> to vector<16xi32>
        tpu.vector_store %arg13[%swap3A_563], %swap3A_566 {strides = array<i32>} : memref<80xi32, #tpu.memory_space<vmem>>, vector<16xi32>,
        %shift_right_logical3A_567 = arith.constant 16 : i32
        %shift_right_logical3A_568 = vector.broadcast %shift_right_logical3A_567 : i32 to vector<16xi32>
        %shift_right_logical3A_569 = arith.shrui %get3A_559, %shift_right_logical3A_568 : vector<16xi32>
        %swap3A_570 = arith.constant 48 : index
        %swap3A_571 = tpu.vector_load %arg17[%swap3A_570] {strides = array<i32>} : memref<80xi32, #tpu.memory_space<vmem>>, vector<16xi32>,
        %swap3A_572 = vector.shape_cast %swap3A_571 : vector<16xi32> to vector<16xi32>
        %swap3A_573 = vector.shape_cast %shift_right_logical3A_569 : vector<16xi32> to vector<16xi32>
        tpu.vector_store %arg17[%swap3A_570], %swap3A_573 {strides = array<i32>} : memref<80xi32, #tpu.memory_space<vmem>>, vector<16xi32>,
        %get3A_574 = arith.constant 64 : index
        %get3A_575 = tpu.vector_load %arg9[%get3A_574] {strides = array<i32>} : memref<80xi32, #tpu.memory_space<vmem>>, vector<16xi32>,
        %get3A_576 = vector.shape_cast %get3A_575 : vector<16xi32> to vector<16xi32>
        %and3A_577 = arith.constant 65535 : i32
        %and3A_578 = vector.broadcast %and3A_577 : i32 to vector<16xi32>
        %and3A_579 = arith.andi %get3A_576, %and3A_578 : vector<16xi32>
        %swap3A_580 = arith.constant 64 : index
        %swap3A_581 = tpu.vector_load %arg13[%swap3A_580] {strides = array<i32>} : memref<80xi32, #tpu.memory_space<vmem>>, vector<16xi32>,
        %swap3A_582 = vector.shape_cast %swap3A_581 : vector<16xi32> to vector<16xi32>
        %swap3A_583 = vector.shape_cast %and3A_579 : vector<16xi32> to vector<16xi32>
        tpu.vector_store %arg13[%swap3A_580], %swap3A_583 {strides = array<i32>} : memref<80xi32, #tpu.memory_space<vmem>>, vector<16xi32>,
        %shift_right_logical3A_584 = arith.constant 16 : i32
        %shift_right_logical3A_585 = vector.broadcast %shift_right_logical3A_584 : i32 to vector<16xi32>
        %shift_right_logical3A_586 = arith.shrui %get3A_576, %shift_right_logical3A_585 : vector<16xi32>
        %swap3A_587 = arith.constant 64 : index
        %swap3A_588 = tpu.vector_load %arg17[%swap3A_587] {strides = array<i32>} : memref<80xi32, #tpu.memory_space<vmem>>, vector<16xi32>,
        %swap3A_589 = vector.shape_cast %swap3A_588 : vector<16xi32> to vector<16xi32>
        %swap3A_590 = vector.shape_cast %shift_right_logical3A_586 : vector<16xi32> to vector<16xi32>
        tpu.vector_store %arg17[%swap3A_587], %swap3A_590 {strides = array<i32>} : memref<80xi32, #tpu.memory_space<vmem>>, vector<16xi32>,
        %dma_start3A_591 = arith.constant 0 : i32
        %dma_start3A_592 = arith.constant 0 : i32
        %dma_start3A_593 = tpu.memref_slice %arg3[%dma_start3A_591, %dma_start3A_592] : memref<10000x128xf32, #tpu.memory_space<hbm>> -> memref<10000x128xf32, #tpu.memory_space<hbm>>
        tpu.enqueue_indirect_dma source(%dma_start3A_593 : memref<10000x128xf32, #tpu.memory_space<hbm>>) target(%arg21 : memref<80x128xf32, #tpu.memory_space<vmem>>) offsets(%arg13 : memref<80xi32, #tpu.memory_space<vmem>>) semaphore(%arg29 : memref<!tpu.dma_semaphore, #tpu.memory_space<semaphore_mem>>)
        %add3A_594 = arith.constant 8 : i32
        %add3A_595 = arith.addi %add3A_490, %add3A_594 : i32
        %lt3A_596 = arith.constant 125 : i32
        %lt3A_597 = arith.cmpi slt, %add3A_595, %lt3A_596 : i32
        %convert_element_type3A_598 = arith.extui %lt3A_597 : i1 to i32
        %cond3A_599 = arith.constant 0 : i32
        %cond3A_600 = arith.cmpi ne, %convert_element_type3A_598, %cond3A_599 : i32
        scf.if %cond3A_600 {
          %mul3A_601 = arith.constant 80 : i32
          %mul3A_602 = arith.muli %add3A_595, %mul3A_601 : i32
          %add3A_603 = arith.addi %mul3A_5, %mul3A_602 : i32
          %dma_start3A_604 = tpu.memref_slice %arg2[%add3A_603] : memref<320000xi32, #tpu.memory_space<hbm>> -> memref<80xi32, #tpu.memory_space<hbm>>
          %dma_start3A_605 = tpu.memref_slice %arg2[%add3A_603] : memref<320000xi32, #tpu.memory_space<hbm>> -> memref<80xi32, #tpu.memory_space<hbm>>
          tpu.enqueue_dma source(%dma_start3A_605 : memref<80xi32, #tpu.memory_space<hbm>>) target(%arg9 : memref<80xi32, #tpu.memory_space<vmem>>) target_semaphore(%arg33 : memref<!tpu.dma_semaphore, #tpu.memory_space<semaphore_mem>>)
        } else {
        }
      } else {
      }
    }
    %scan3A_440 = arith.constant 31 : i32
    %dma_wait3A_441 = arith.constant 0 : i32
    %dma_wait3A_442 = arith.constant 0 : i32
    %dma_wait3A_443 = tpu.memref_slice %arg3[%dma_wait3A_441, %dma_wait3A_442] : memref<10000x128xf32, #tpu.memory_space<hbm>> -> memref<10000x128xf32, #tpu.memory_space<hbm>>
    tpu.wait_indirect_dma semaphore(%arg26 : memref<!tpu.dma_semaphore, #tpu.memory_space<semaphore_mem>>) src(%dma_wait3A_443 : memref<10000x128xf32, #tpu.memory_space<hbm>>) dst(%arg18 : memref<80x128xf32, #tpu.memory_space<vmem>>)
    "tpu.region"() ({
      %run_scoped3A = tpu.sem_alloc : memref<!tpu.dma_semaphore, #tpu.memory_space<semaphore_mem>>
      %dma_start3A_450 = arith.constant 0 : i32
      %dma_start3A_451 = arith.constant 0 : i32
      %dma_start3A_452 = tpu.memref_slice %arg24[%dma_start3A_450, %dma_start3A_451] : memref<10000x128xf32, #tpu.memory_space<vmem_shared>> -> memref<10000x128xf32, #tpu.memory_space<vmem_shared>>
      tpu.enqueue_indirect_dma source(%arg18 : memref<80x128xf32, #tpu.memory_space<vmem>>) target(%dma_start3A_452 : memref<10000x128xf32, #tpu.memory_space<vmem_shared>>) offsets(%arg14 : memref<80xi32, #tpu.memory_space<vmem>>) semaphore(%run_scoped3A : memref<!tpu.dma_semaphore, #tpu.memory_space<semaphore_mem>>) {add = true}
      %dma_wait3A_453 = arith.constant 0 : i32
      %dma_wait3A_454 = arith.constant 0 : i32
      %dma_wait3A_455 = tpu.memref_slice %arg24[%dma_wait3A_453, %dma_wait3A_454] : memref<10000x128xf32, #tpu.memory_space<vmem_shared>> -> memref<10000x128xf32, #tpu.memory_space<vmem_shared>>
      tpu.wait_indirect_dma semaphore(%run_scoped3A : memref<!tpu.dma_semaphore, #tpu.memory_space<semaphore_mem>>) src(%arg18 : memref<80x128xf32, #tpu.memory_space<vmem>>) dst(%dma_wait3A_455 : memref<10000x128xf32, #tpu.memory_space<vmem_shared>>)
      tpu.yield
    }) : () -> ()
    "tpu.region"() ({
      %run_scoped3A = tpu.sem_alloc : memref<!tpu.dma_semaphore, #tpu.memory_space<semaphore_mem>>
      %dma_start3A_450 = arith.constant 0 : i32
      %dma_start3A_451 = tpu.memref_slice %arg25[%dma_start3A_450] : memref<10000xf32, #tpu.memory_space<vmem_shared>> -> memref<10000xf32, #tpu.memory_space<vmem_shared>>
      tpu.enqueue_indirect_dma source(%arg23 : memref<80xf32, #tpu.memory_space<vmem>>) target(%dma_start3A_451 : memref<10000xf32, #tpu.memory_space<vmem_shared>>) offsets(%arg14 : memref<80xi32, #tpu.memory_space<vmem>>) semaphore(%run_scoped3A : memref<!tpu.dma_semaphore, #tpu.memory_space<semaphore_mem>>) {add = true}
      %dma_wait3A_452 = arith.constant 0 : i32
      %dma_wait3A_453 = tpu.memref_slice %arg25[%dma_wait3A_452] : memref<10000xf32, #tpu.memory_space<vmem_shared>> -> memref<10000xf32, #tpu.memory_space<vmem_shared>>
      tpu.wait_indirect_dma semaphore(%run_scoped3A : memref<!tpu.dma_semaphore, #tpu.memory_space<semaphore_mem>>) src(%arg23 : memref<80xf32, #tpu.memory_space<vmem>>) dst(%dma_wait3A_453 : memref<10000xf32, #tpu.memory_space<vmem_shared>>)
      tpu.yield
    }) : () -> ()
    %barrier3A_444 = arith.constant 0 : index
    tpu.barrier barrier_id(%barrier3A_444)
    %lt3A_445 = arith.constant 10 : i32
    %lt3A_446 = arith.cmpi slt, %arg1, %lt3A_445 : i32
    %convert_element_type3A_447 = arith.extui %lt3A_446 : i1 to i32
    %cond3A_448 = arith.constant 0 : i32
    %cond3A_449 = arith.cmpi ne, %convert_element_type3A_447, %cond3A_448 : i32
    scf.if %cond3A_449 {
      %scan3A_450 = arith.constant 0 : i32
      %scan3A_451 = arith.constant 0 : i32
      %scan3A_452 = arith.constant 12 : i32
      %scan3A_453 = arith.addi %scan3A_451, %scan3A_452 : i32
      %scan3A_454 = arith.constant 1 : i32
      scf.for %scan3A_461 = %scan3A_451 to %scan3A_453 step %scan3A_454  : i32 {
        %mul3A_462 = arith.constant 80 : i32
        %mul3A_463 = arith.muli %scan3A_461, %mul3A_462 : i32
        %add3A_464 = arith.addi %mul3A_52, %mul3A_463 : i32
        "tpu.region"() ({
          %run_scoped3A = tpu.sem_alloc : memref<!tpu.dma_semaphore, #tpu.memory_space<semaphore_mem>>
          %dma_start3A_465 = arith.constant 0 : i32
          %dma_start3A_466 = tpu.memref_slice %arg24[%add3A_464, %dma_start3A_465] : memref<10000x128xf32, #tpu.memory_space<vmem_shared>> -> memref<80x128xf32, #tpu.memory_space<vmem_shared>>
          %dma_start3A_467 = arith.constant 0 : i32
          %dma_start3A_468 = tpu.memref_slice %arg24[%add3A_464, %dma_start3A_467] : memref<10000x128xf32, #tpu.memory_space<vmem_shared>> -> memref<80x128xf32, #tpu.memory_space<vmem_shared>>
          tpu.enqueue_dma source(%dma_start3A_468 : memref<80x128xf32, #tpu.memory_space<vmem_shared>>) target(%arg18 : memref<80x128xf32, #tpu.memory_space<vmem>>) target_semaphore(%run_scoped3A : memref<!tpu.dma_semaphore, #tpu.memory_space<semaphore_mem>>)
          %dma_wait3A_469 = arith.constant 0 : i32
          %dma_wait3A_470 = tpu.memref_slice %arg24[%add3A_464, %dma_wait3A_469] : memref<10000x128xf32, #tpu.memory_space<vmem_shared>> -> memref<80x128xf32, #tpu.memory_space<vmem_shared>>
          %dma_wait3A_471 = arith.constant 0 : i32
          %dma_wait3A_472 = tpu.memref_slice %arg24[%add3A_464, %dma_wait3A_471] : memref<10000x128xf32, #tpu.memory_space<vmem_shared>> -> memref<80x128xf32, #tpu.memory_space<vmem_shared>>
          tpu.wait_dma2 semaphore(%run_scoped3A : memref<!tpu.dma_semaphore, #tpu.memory_space<semaphore_mem>>) src(%dma_wait3A_472 : memref<80x128xf32, #tpu.memory_space<vmem_shared>>) dst(%arg18 : memref<80x128xf32, #tpu.memory_space<vmem>>)
          tpu.yield
        }) : () -> ()
        "tpu.region"() ({
          %run_scoped3A = tpu.sem_alloc : memref<!tpu.dma_semaphore, #tpu.memory_space<semaphore_mem>>
          %dma_start3A_465 = arith.constant 0 : i32
          %dma_start3A_466 = arith.constant 0 : i32
          %dma_start3A_467 = tpu.memref_slice %arg4[%arg0, %dma_start3A_465, %dma_start3A_466] : memref<2x10000x128xf32, #tpu.memory_space<hbm>> -> memref<1x10000x128xf32, #tpu.memory_space<hbm>>
          %dma_start3A_468 = tpu.memref_squeeze %dma_start3A_467 : memref<1x10000x128xf32, #tpu.memory_space<hbm>> -> memref<10000x128xf32, #tpu.memory_space<hbm>>
          %dma_start3A_469 = arith.constant 0 : i32
          %dma_start3A_470 = tpu.memref_slice %dma_start3A_468[%add3A_464, %dma_start3A_469] : memref<10000x128xf32, #tpu.memory_space<hbm>> -> memref<80x128xf32, #tpu.memory_space<hbm>>
          %dma_start3A_471 = arith.constant 0 : i32
          %dma_start3A_472 = arith.constant 0 : i32
          %dma_start3A_473 = tpu.memref_slice %arg4[%arg0, %dma_start3A_471, %dma_start3A_472] : memref<2x10000x128xf32, #tpu.memory_space<hbm>> -> memref<1x10000x128xf32, #tpu.memory_space<hbm>>
          %dma_start3A_474 = tpu.memref_squeeze %dma_start3A_473 : memref<1x10000x128xf32, #tpu.memory_space<hbm>> -> memref<10000x128xf32, #tpu.memory_space<hbm>>
          %dma_start3A_475 = arith.constant 0 : i32
          %dma_start3A_476 = tpu.memref_slice %dma_start3A_474[%add3A_464, %dma_start3A_475] : memref<10000x128xf32, #tpu.memory_space<hbm>> -> memref<80x128xf32, #tpu.memory_space<hbm>>
          tpu.enqueue_dma source(%arg18 : memref<80x128xf32, #tpu.memory_space<vmem>>) target(%dma_start3A_476 : memref<80x128xf32, #tpu.memory_space<hbm>>) target_semaphore(%run_scoped3A : memref<!tpu.dma_semaphore, #tpu.memory_space<semaphore_mem>>)
          %dma_wait3A_477 = arith.constant 0 : i32
          %dma_wait3A_478 = arith.constant 0 : i32
          %dma_wait3A_479 = tpu.memref_slice %arg4[%arg0, %dma_wait3A_477, %dma_wait3A_478] : memref<2x10000x128xf32, #tpu.memory_space<hbm>> -> memref<1x10000x128xf32, #tpu.memory_space<hbm>>
          %dma_wait3A_480 = tpu.memref_squeeze %dma_wait3A_479 : memref<1x10000x128xf32, #tpu.memory_space<hbm>> -> memref<10000x128xf32, #tpu.memory_space<hbm>>
          %dma_wait3A_481 = arith.constant 0 : i32
          %dma_wait3A_482 = tpu.memref_slice %dma_wait3A_480[%add3A_464, %dma_wait3A_481] : memref<10000x128xf32, #tpu.memory_space<hbm>> -> memref<80x128xf32, #tpu.memory_space<hbm>>
          %dma_wait3A_483 = arith.constant 0 : i32
          %dma_wait3A_484 = arith.constant 0 : i32
          %dma_wait3A_485 = tpu.memref_slice %arg4[%arg0, %dma_wait3A_483, %dma_wait3A_484] : memref<2x10000x128xf32, #tpu.memory_space<hbm>> -> memref<1x10000x128xf32, #tpu.memory_space<hbm>>
          %dma_wait3A_486 = tpu.memref_squeeze %dma_wait3A_485 : memref<1x10000x128xf32, #tpu.memory_space<hbm>> -> memref<10000x128xf32, #tpu.memory_space<hbm>>
          %dma_wait3A_487 = arith.constant 0 : i32
          %dma_wait3A_488 = tpu.memref_slice %dma_wait3A_486[%add3A_464, %dma_wait3A_487] : memref<10000x128xf32, #tpu.memory_space<hbm>> -> memref<80x128xf32, #tpu.memory_space<hbm>>
          tpu.wait_dma2 semaphore(%run_scoped3A : memref<!tpu.dma_semaphore, #tpu.memory_space<semaphore_mem>>) src(%arg18 : memref<80x128xf32, #tpu.memory_space<vmem>>) dst(%dma_wait3A_488 : memref<80x128xf32, #tpu.memory_space<hbm>>)
          tpu.yield
        }) : () -> ()
      }
      %scan3A_455 = arith.constant 12 : i32
      %add3A_456 = arith.constant 960 : i32
      %add3A_457 = arith.addi %mul3A_52, %add3A_456 : i32
      "tpu.region"() ({
        %run_scoped3A = tpu.sem_alloc : memref<!tpu.dma_semaphore, #tpu.memory_space<semaphore_mem>>
        %dma_start3A_461 = arith.constant 0 : i32
        %dma_start3A_462 = arith.constant 0 : i32
        %dma_start3A_463 = tpu.memref_slice %arg18[%dma_start3A_461, %dma_start3A_462] : memref<80x128xf32, #tpu.memory_space<vmem>> -> memref<40x128xf32, #tpu.memory_space<vmem>>
        %dma_start3A_464 = arith.constant 0 : i32
        %dma_start3A_465 = tpu.memref_slice %arg24[%add3A_457, %dma_start3A_464] : memref<10000x128xf32, #tpu.memory_space<vmem_shared>> -> memref<40x128xf32, #tpu.memory_space<vmem_shared>>
        %dma_start3A_466 = arith.constant 0 : i32
        %dma_start3A_467 = arith.constant 0 : i32
        %dma_start3A_468 = tpu.memref_slice %arg18[%dma_start3A_466, %dma_start3A_467] : memref<80x128xf32, #tpu.memory_space<vmem>> -> memref<40x128xf32, #tpu.memory_space<vmem>>
        %dma_start3A_469 = arith.constant 0 : i32
        %dma_start3A_470 = tpu.memref_slice %arg24[%add3A_457, %dma_start3A_469] : memref<10000x128xf32, #tpu.memory_space<vmem_shared>> -> memref<40x128xf32, #tpu.memory_space<vmem_shared>>
        tpu.enqueue_dma source(%dma_start3A_470 : memref<40x128xf32, #tpu.memory_space<vmem_shared>>) target(%dma_start3A_468 : memref<40x128xf32, #tpu.memory_space<vmem>>) target_semaphore(%run_scoped3A : memref<!tpu.dma_semaphore, #tpu.memory_space<semaphore_mem>>)
        %dma_wait3A_471 = arith.constant 0 : i32
        %dma_wait3A_472 = arith.constant 0 : i32
        %dma_wait3A_473 = tpu.memref_slice %arg18[%dma_wait3A_471, %dma_wait3A_472] : memref<80x128xf32, #tpu.memory_space<vmem>> -> memref<40x128xf32, #tpu.memory_space<vmem>>
        %dma_wait3A_474 = arith.constant 0 : i32
        %dma_wait3A_475 = tpu.memref_slice %arg24[%add3A_457, %dma_wait3A_474] : memref<10000x128xf32, #tpu.memory_space<vmem_shared>> -> memref<40x128xf32, #tpu.memory_space<vmem_shared>>
        %dma_wait3A_476 = arith.constant 0 : i32
        %dma_wait3A_477 = arith.constant 0 : i32
        %dma_wait3A_478 = tpu.memref_slice %arg18[%dma_wait3A_476, %dma_wait3A_477] : memref<80x128xf32, #tpu.memory_space<vmem>> -> memref<40x128xf32, #tpu.memory_space<vmem>>
        %dma_wait3A_479 = arith.constant 0 : i32
        %dma_wait3A_480 = tpu.memref_slice %arg24[%add3A_457, %dma_wait3A_479] : memref<10000x128xf32, #tpu.memory_space<vmem_shared>> -> memref<40x128xf32, #tpu.memory_space<vmem_shared>>
        tpu.wait_dma2 semaphore(%run_scoped3A : memref<!tpu.dma_semaphore, #tpu.memory_space<semaphore_mem>>) src(%dma_wait3A_480 : memref<40x128xf32, #tpu.memory_space<vmem_shared>>) dst(%dma_wait3A_478 : memref<40x128xf32, #tpu.memory_space<vmem>>)
        tpu.yield
      }) : () -> ()
      "tpu.region"() ({
        %run_scoped3A = tpu.sem_alloc : memref<!tpu.dma_semaphore, #tpu.memory_space<semaphore_mem>>
        %dma_start3A_461 = arith.constant 0 : i32
        %dma_start3A_462 = arith.constant 0 : i32
        %dma_start3A_463 = tpu.memref_slice %arg18[%dma_start3A_461, %dma_start3A_462] : memref<80x128xf32, #tpu.memory_space<vmem>> -> memref<40x128xf32, #tpu.memory_space<vmem>>
        %dma_start3A_464 = arith.constant 0 : i32
        %dma_start3A_465 = arith.constant 0 : i32
        %dma_start3A_466 = tpu.memref_slice %arg4[%arg0, %dma_start3A_464, %dma_start3A_465] : memref<2x10000x128xf32, #tpu.memory_space<hbm>> -> memref<1x10000x128xf32, #tpu.memory_space<hbm>>
        %dma_start3A_467 = tpu.memref_squeeze %dma_start3A_466 : memref<1x10000x128xf32, #tpu.memory_space<hbm>> -> memref<10000x128xf32, #tpu.memory_space<hbm>>
        %dma_start3A_468 = arith.constant 0 : i32
        %dma_start3A_469 = tpu.memref_slice %dma_start3A_467[%add3A_457, %dma_start3A_468] : memref<10000x128xf32, #tpu.memory_space<hbm>> -> memref<40x128xf32, #tpu.memory_space<hbm>>
        %dma_start3A_470 = arith.constant 0 : i32
        %dma_start3A_471 = arith.constant 0 : i32
        %dma_start3A_472 = tpu.memref_slice %arg4[%arg0, %dma_start3A_470, %dma_start3A_471] : memref<2x10000x128xf32, #tpu.memory_space<hbm>> -> memref<1x10000x128xf32, #tpu.memory_space<hbm>>
        %dma_start3A_473 = tpu.memref_squeeze %dma_start3A_472 : memref<1x10000x128xf32, #tpu.memory_space<hbm>> -> memref<10000x128xf32, #tpu.memory_space<hbm>>
        %dma_start3A_474 = arith.constant 0 : i32
        %dma_start3A_475 = tpu.memref_slice %dma_start3A_473[%add3A_457, %dma_start3A_474] : memref<10000x128xf32, #tpu.memory_space<hbm>> -> memref<40x128xf32, #tpu.memory_space<hbm>>
        %dma_start3A_476 = arith.constant 0 : i32
        %dma_start3A_477 = arith.constant 0 : i32
        %dma_start3A_478 = tpu.memref_slice %arg18[%dma_start3A_476, %dma_start3A_477] : memref<80x128xf32, #tpu.memory_space<vmem>> -> memref<40x128xf32, #tpu.memory_space<vmem>>
        tpu.enqueue_dma source(%dma_start3A_478 : memref<40x128xf32, #tpu.memory_space<vmem>>) target(%dma_start3A_475 : memref<40x128xf32, #tpu.memory_space<hbm>>) target_semaphore(%run_scoped3A : memref<!tpu.dma_semaphore, #tpu.memory_space<semaphore_mem>>)
        %dma_wait3A_479 = arith.constant 0 : i32
        %dma_wait3A_480 = arith.constant 0 : i32
        %dma_wait3A_481 = tpu.memref_slice %arg18[%dma_wait3A_479, %dma_wait3A_480] : memref<80x128xf32, #tpu.memory_space<vmem>> -> memref<40x128xf32, #tpu.memory_space<vmem>>
        %dma_wait3A_482 = arith.constant 0 : i32
        %dma_wait3A_483 = arith.constant 0 : i32
        %dma_wait3A_484 = tpu.memref_slice %arg4[%arg0, %dma_wait3A_482, %dma_wait3A_483] : memref<2x10000x128xf32, #tpu.memory_space<hbm>> -> memref<1x10000x128xf32, #tpu.memory_space<hbm>>
        %dma_wait3A_485 = tpu.memref_squeeze %dma_wait3A_484 : memref<1x10000x128xf32, #tpu.memory_space<hbm>> -> memref<10000x128xf32, #tpu.memory_space<hbm>>
        %dma_wait3A_486 = arith.constant 0 : i32
        %dma_wait3A_487 = tpu.memref_slice %dma_wait3A_485[%add3A_457, %dma_wait3A_486] : memref<10000x128xf32, #tpu.memory_space<hbm>> -> memref<40x128xf32, #tpu.memory_space<hbm>>
        %dma_wait3A_488 = arith.constant 0 : i32
        %dma_wait3A_489 = arith.constant 0 : i32
        %dma_wait3A_490 = tpu.memref_slice %arg4[%arg0, %dma_wait3A_488, %dma_wait3A_489] : memref<2x10000x128xf32, #tpu.memory_space<hbm>> -> memref<1x10000x128xf32, #tpu.memory_space<hbm>>
        %dma_wait3A_491 = tpu.memref_squeeze %dma_wait3A_490 : memref<1x10000x128xf32, #tpu.memory_space<hbm>> -> memref<10000x128xf32, #tpu.memory_space<hbm>>
        %dma_wait3A_492 = arith.constant 0 : i32
        %dma_wait3A_493 = tpu.memref_slice %dma_wait3A_491[%add3A_457, %dma_wait3A_492] : memref<10000x128xf32, #tpu.memory_space<hbm>> -> memref<40x128xf32, #tpu.memory_space<hbm>>
        %dma_wait3A_494 = arith.constant 0 : i32
        %dma_wait3A_495 = arith.constant 0 : i32
        %dma_wait3A_496 = tpu.memref_slice %arg18[%dma_wait3A_494, %dma_wait3A_495] : memref<80x128xf32, #tpu.memory_space<vmem>> -> memref<40x128xf32, #tpu.memory_space<vmem>>
        tpu.wait_dma2 semaphore(%run_scoped3A : memref<!tpu.dma_semaphore, #tpu.memory_space<semaphore_mem>>) src(%dma_wait3A_496 : memref<40x128xf32, #tpu.memory_space<vmem>>) dst(%dma_wait3A_493 : memref<40x128xf32, #tpu.memory_space<hbm>>)
        tpu.yield
      }) : () -> ()
      "tpu.region"() ({
        %run_scoped3A = tpu.sem_alloc : memref<!tpu.dma_semaphore, #tpu.memory_space<semaphore_mem>>
        %dma_start3A_461 = tpu.memref_slice %arg25[%mul3A_52] : memref<10000xf32, #tpu.memory_space<vmem_shared>> -> memref<1000xf32, #tpu.memory_space<vmem_shared>>
        %dma_start3A_462 = tpu.memref_slice %arg25[%mul3A_52] : memref<10000xf32, #tpu.memory_space<vmem_shared>> -> memref<1000xf32, #tpu.memory_space<vmem_shared>>
        tpu.enqueue_dma source(%dma_start3A_462 : memref<1000xf32, #tpu.memory_space<vmem_shared>>) target(%arg22 : memref<1000xf32, #tpu.memory_space<vmem>>) target_semaphore(%run_scoped3A : memref<!tpu.dma_semaphore, #tpu.memory_space<semaphore_mem>>)
        %dma_wait3A_463 = tpu.memref_slice %arg25[%mul3A_52] : memref<10000xf32, #tpu.memory_space<vmem_shared>> -> memref<1000xf32, #tpu.memory_space<vmem_shared>>
        %dma_wait3A_464 = tpu.memref_slice %arg25[%mul3A_52] : memref<10000xf32, #tpu.memory_space<vmem_shared>> -> memref<1000xf32, #tpu.memory_space<vmem_shared>>
        tpu.wait_dma2 semaphore(%run_scoped3A : memref<!tpu.dma_semaphore, #tpu.memory_space<semaphore_mem>>) src(%dma_wait3A_464 : memref<1000xf32, #tpu.memory_space<vmem_shared>>) dst(%arg22 : memref<1000xf32, #tpu.memory_space<vmem>>)
        tpu.yield
      }) : () -> ()
      %mul3A_458 = arith.constant 10000 : i32
      %mul3A_459 = arith.muli %arg0, %mul3A_458 : i32
      %add3A_460 = arith.addi %mul3A_459, %mul3A_52 : i32
      "tpu.region"() ({
        %run_scoped3A = tpu.sem_alloc : memref<!tpu.dma_semaphore, #tpu.memory_space<semaphore_mem>>
        %dma_start3A_461 = tpu.memref_slice %arg5[%add3A_460] : memref<20000xf32, #tpu.memory_space<hbm>> -> memref<1000xf32, #tpu.memory_space<hbm>>
        %dma_start3A_462 = tpu.memref_slice %arg5[%add3A_460] : memref<20000xf32, #tpu.memory_space<hbm>> -> memref<1000xf32, #tpu.memory_space<hbm>>
        tpu.enqueue_dma source(%arg22 : memref<1000xf32, #tpu.memory_space<vmem>>) target(%dma_start3A_462 : memref<1000xf32, #tpu.memory_space<hbm>>) target_semaphore(%run_scoped3A : memref<!tpu.dma_semaphore, #tpu.memory_space<semaphore_mem>>)
        %dma_wait3A_463 = tpu.memref_slice %arg5[%add3A_460] : memref<20000xf32, #tpu.memory_space<hbm>> -> memref<1000xf32, #tpu.memory_space<hbm>>
        %dma_wait3A_464 = tpu.memref_slice %arg5[%add3A_460] : memref<20000xf32, #tpu.memory_space<hbm>> -> memref<1000xf32, #tpu.memory_space<hbm>>
        tpu.wait_dma2 semaphore(%run_scoped3A : memref<!tpu.dma_semaphore, #tpu.memory_space<semaphore_mem>>) src(%arg22 : memref<1000xf32, #tpu.memory_space<vmem>>) dst(%dma_wait3A_464 : memref<1000xf32, #tpu.memory_space<hbm>>)
        tpu.yield
      }) : () -> ()
    } else {
    }
    return
  }
}

</mosaic_0001>

<sc_bundles>
// kernel: _sc_agg.3.cloned.1.call-start
scs
__scs_entry_jumppad:
0x0: {  	(pc) =	sbr.rel $0x88, $3  }
0x1: {  	(tag) =	ssettag $0x0;
	lr =	simm.s32 $0x1  }
0x2: {  	[smem:$0x3F9F] =	sst lr;
	_ =	strace $0xD0000000  }
0x3: {  	_ = 	snop  }
0x4: {  	_ = 	snop  }
0x5: {  	_ = 	snop  }
0x6: {  	_ = 	snop  }
0x7: {  	_ = 	snop  }
__scs_overlays_trampoline_lowered:
0x8: {  	[smem:$0x3FAE] =	sst s0  }
0x9: {  	[smem:$0x3FAF] =	sst s1  }
0xa: {  	[smem:$0x3FB0] =	sst s2  }
0xb: {  	[smem:$0x3FB1] =	sst s3  }
0xc: {  	[smem:$0x3FB2] =	sst s4  }
0xd: {  	[smem:$0x3FB3] =	sst s5  }
0xe: {  	[smem:$0x3FB4] =	sst s6  }
0xf: {  	[smem:$0x3FB5] =	sst s7  }
0x10: {  	[smem:$0x3FB6] =	sst s8  }
0x11: {  	[smem:$0x3FB7] =	sst s9;
	s0 =	simm.s32 @!p0 $0x0  }
0x12: {  	s1 =	sld [smem:$0x3F9D];
	s0 =	simm.s32 @p0 $0x1  }
0x13: {  	[smem:$0x3FB8] =	sst s0;
	s0 =	simm.s32 @!p1 $0x0  }
0x14: {  	s2 =	sld [smem:$0x3F9C];
	s0 =	simm.s32 @p1 $0x1  }
0x15: {  	[smem:$0x3FB9] =	sst s0;
	s0 =	simm.s32 @!p2 $0x0  }
0x16: {  	s3 =	sld [smem:$0x3FDB];
	s0 =	simm.s32 @p2 $0x1  }
0x17: {  	s4 =	simm.s32 $0x1BF5;
	[smem:$0x3FBB] =	sst s0  }
0x18: {  	s0 =	sld [smem:$0x3F9E];
	_ =	swait.ge [sflag:s4], $0x0  }
0x19: {  	s7 =	sld [smem:$0x3F9F]  }
0x1a: {  	s8 =	sadd.s32 $0xFFFFE003, lr  }
0x1b: {  	s9 =	sadd.s32 $0xFFFFFEF7, lr;
	s5 =	simm.s32 $0xFFFFFFFF;
	p2 =	slt.u32 s8, $0xFFFFF086  }
0x1c: {  	p1 =	slt.u32 s9, $0xF7A;
	s5 =	simm.s32 @!p2 $0x0  }
0x1d: {  	s5 =	simm.s32 @p1 $0x1;
	p0 =	seq.s32 s7, s2  }
0x1e: {  	s7 =	smul.u32 @!p0 $0xF7A, s2;
	p2 =	seq.s32 @!p0 s5, $0x0  }
0x1f: {  	s9 =	smul.u32 $0xF7A, s1;
	s8 =	simm.s32 @!p0 $0x1BF5;
	p2 =	por !p2, p0  }
0x20: {  	[sflag:s8] =	ssyncset.s32 @!p0 $0xFFFFF086;
	s6 =	sadd.s32 @!p0 s3, s7;
	s7 =	simm.s32 @!p0 $0x108  }
0x21: {  	s3 =	sadd.s32 s3, s9;
	s6 =	sadd.s32 @!p0 $0x88, s6;
	s7 =	simm.s32 @p2 $0x1082  }
0x22: {  	[simem:s7], [sflag:s8] =	dma.local @!p0 [hbm:s6], $0xF7A  }
0x23: {  	s9 =	sor.u32 $0xD0000000, s2;
	s6 =	simm.s32 $0x108;
	_ =	swait.ge @!p0 [sflag:s8], $0x0  }
0x24: {  	s3 =	sadd.s32 $0x88, s3;
	s6 =	simm.s32 @!p1 $0x1082;
	[sflag:s4] =	ssyncset.s32 $0xFFFFF086  }
0x25: {  	[simem:s6], [sflag:s4] =	dma.local [hbm:s3], $0xF7A  }
0x26: {  	[smem:$0x3F9F] =	sst s1;
	(tag) =	ssettag s2;
	_ =	strace s9  }
0x27: {  	s1 =	sld [smem:$0x3FAF]  }
0x28: {  	s2 =	sld [smem:$0x3FB0]  }
0x29: {  	s4 =	sld [smem:$0x3FB2]  }
0x2a: {  	p0 =	seq.s32 s5, $0x0;
	s5 =	sld [smem:$0x3FB3]  }
0x2b: {  	s6 =	sld [smem:$0x3FB4]  }
0x2c: {  	s7 =	sld [smem:$0x3FB5]  }
0x2d: {  	s3 =	simm.s32 $0x108;
	s8 =	sld [smem:$0x3FB6]  }
0x2e: {  	s3 =	simm.s32 @!p0 $0x1082;
	s9 =	sld [smem:$0x3FB7]  }
0x2f: {  	lr =	sadd.s32 s0, s3;
	s0 =	sld [smem:$0x3FAE]  }
0x30: {  	s3 =	sld [smem:$0x3FB1]  }
0x31: {  	[smem:$0x3FBA] =	sst s10  }
0x32: {  	s10 =	sld [smem:$0x3FB8];
	_ =	sdelay $0x3  }
0x33: {  	p0 =	seq.s32 s10, $0x1;
	s10 =	sld [smem:$0x3FBA];
	_ =	sdelay $0x3  }
0x34: {  	[smem:$0x3FBA] =	sst s10  }
0x35: {  	s10 =	sld [smem:$0x3FB9];
	_ =	sdelay $0x3  }
0x36: {  	p1 =	seq.s32 s10, $0x1;
	s10 =	sld [smem:$0x3FBA];
	_ =	sdelay $0x3  }
0x37: {  	[smem:$0x3FBA] =	sst s10  }
0x38: {  	s10 =	sld [smem:$0x3FBB]  }
0x39: {  	_ = 	snop;
	(pc) =	sbr.ind lr, $3  }
0x3a: {  	_ = 	snop  }
0x3b: {  	_ = 	snop  }
0x3c: {  	p2 =	seq.s32 s10, $0x1;
	s10 =	sld [smem:$0x3FBA]  }
0x3d: {  	_ =	shalt  }
0x3e: {  	_ =	shalt  }
0x3f: {  	_ =	shalt  }
0x40: {  	_ =	shalt  }
0x41: {  	_ =	shalt  }
0x42: {  	_ =	shalt  }
0x43: {  	_ =	shalt  }
0x44: {  	_ =	shalt  }
0x45: {  	_ =	shalt  }
0x46: {  	_ =	shalt  }
0x47: {  	_ =	shalt  }
0x48: {  	_ =	shalt  }
0x49: {  	_ =	shalt  }
0x4a: {  	_ =	shalt  }
0x4b: {  	_ =	shalt  }
0x4c: {  	_ =	shalt  }
0x4d: {  	_ =	shalt  }
0x4e: {  	_ =	shalt  }
0x4f: {  	_ =	shalt  }
0x50: {  	_ =	shalt  }
0x51: {  	_ =	shalt  }
0x52: {  	_ =	shalt  }
0x53: {  	_ =	shalt  }
0x54: {  	_ =	shalt  }
0x55: {  	_ =	shalt  }
0x56: {  	_ =	shalt  }
0x57: {  	_ =	shalt  }
0x58: {  	_ =	shalt  }
0x59: {  	_ =	shalt  }
0x5a: {  	_ =	shalt  }
0x5b: {  	_ =	shalt  }
0x5c: {  	_ =	shalt  }
0x5d: {  	_ =	shalt  }
0x5e: {  	_ =	shalt  }
0x5f: {  	_ =	shalt  }
0x60: {  	_ =	shalt  }
0x61: {  	_ =	shalt  }
0x62: {  	_ =	shalt  }
0x63: {  	_ =	shalt  }
0x64: {  	_ =	shalt  }
0x65: {  	_ =	shalt  }
0x66: {  	_ =	shalt  }
0x67: {  	_ =	shalt  }
0x68: {  	_ =	shalt  }
0x69: {  	_ =	shalt  }
0x6a: {  	_ =	shalt  }
0x6b: {  	_ =	shalt  }
0x6c: {  	_ =	shalt  }
0x6d: {  	_ =	shalt  }
0x6e: {  	_ =	shalt  }
0x6f: {  	_ =	shalt  }
0x70: {  	_ =	shalt  }
0x71: {  	_ =	shalt  }
0x72: {  	_ =	shalt  }
0x73: {  	_ =	shalt  }
0x74: {  	_ =	shalt  }
0x75: {  	_ =	shalt  }
0x76: {  	_ =	shalt  }
0x77: {  	_ =	shalt  }
0x78: {  	_ =	shalt  }
0x79: {  	_ =	shalt  }
0x7a: {  	_ =	shalt  }
0x7b: {  	_ =	shalt  }
0x7c: {  	_ =	shalt  }
0x7d: {  	_ =	shalt  }
0x7e: {  	_ =	shalt  }
0x7f: {  	_ =	shalt  }
0x80: {  	_ =	shalt  }
0x81: {  	_ =	shalt  }
0x82: {  	_ =	shalt  }
0x83: {  	_ =	shalt  }
0x84: {  	_ =	shalt  }
0x85: {  	_ =	shalt  }
0x86: {  	_ =	shalt  }
0x87: {  	_ =	shalt  }
.Lfunc_end0:
.L_simem_size_0:
called_computation_lowered:
.L_overlay_start_0:
0x88: {  	s2 =	sld [smem:$0x3FD9]  }
0x89: {  	s3 =	sld [smem:$0x3FFE];
	_ =	sdelay $0x1  }
0x8a: {  	s1 =	srdreg.scid  }
0x8b: {  	s0 =	sand.u32 $0x1, s1  }
0x8c: {  	s15 =	sshll.u32 s0, $0xA;
	s2 =	sadd.s32 s3, s2  }
0x8d: {  	s2 =	sadd.s32 s2, s15  }
0x8e: {  	[smem:$0x3FC6] =	sst s2  }
0x8f: {  	_ = 	snop  }
0x90: {  	s2 =	sld [smem:$0x3FD0];
	_ =	sdelay $0x1  }
0x91: {  	s16 =	sld [smem:$0x3FC9]  }
0x92: {  	s5 =	simm.s32 $0xA;
	s6 =	simm.s32 $0x10;
	s4 =	sld [smem:$0x3FC8]  }
0x93: {  	[smem:s6], [sflag:s5] =	dma.local [hbm:s2], $0x1  }
0x94: {  	_ =	swait.eq [sflag:s5], $0x1  }
0x95: {  	[sflag:s5] =	ssyncset.done $0x0  }
0x96: {  	s17 =	sld [smem:$0x10];
	[sflag:s5] =	ssyncadd.s32 $0xFFFFFFFF  }
0x97: {  	s18 =	sld [smem:$0x11];
	(tm) =	ssettm $0x1  }
0x98: {  	s19 =	sld [smem:$0x3FFB];
	_ =	sdelay $0x3  }
0x99: {  	_ =	strace s19  }
0x9a: {  	s6 =	sld [smem:$0x3FFC];
	_ =	sdelay $0x3  }
0x9b: {  	_ =	strace s6  }
0x9c: {  	s6 =	sld [smem:$0x3FFD];
	_ =	sdelay $0x3  }
0x9d: {  	_ =	strace s6  }
0x9e: {  	_ =	strace $0x8FFFFFFF  }
0x9f: {  	s20 =	sld [smem:$0x3FDB];
	_ =	sdelay $0x1  }
0xa0: {  	s7 =	simm.s32 $_scs_section_size  }
0xa1: {  	s8 =	simm.s32 $_size__tile_overlayer_lowered;
	s9 =	simm.s32 $_tile_overlayer_lowered  }
0xa2: {  	s23 =	simm.s32 $0x1BFF;
	s22 =	sshll.u32 s9, $0x1;
	s6 =	sadd.s32 s7, s20  }
0xa3: {  	s10 =	simm.s32 $0x0;
	s21 =	sshll.u32 s8, $0x1;
	s8 =	sadd.s32 s22, s6  }
0xa4: {  	[timem:s10], [sflag:s23] =	dma.local [hbm:s8], s21  }
0xa5: {  	_ =	swait.ge [sflag:s23], s21  }
0xa6: {  	s7 =	ssub.s32 $0x0, s21;
	[sflag:s23] =	ssyncset.done $0x0  }
0xa7: {  	[sflag:s23] =	ssyncadd.s32 s7;
	_ =	sdelay $0x1  }
0xa8: {  	s24 =	simm.s32 $0x1B8B  }
0xa9: {  	_ =	swait.ge [sflag:s24], $0x1  }
0xaa: {  	[sflag:s24] =	ssyncset.done $0x0  }
0xab: {  	s25 =	simm.s32 $0x1B8E;
	[sflag:s24] =	ssyncadd.s32 $0xFFFFFFFF  }
0xac: {  	s26 =	simm.s32 $execute0_lowered;
	[smem:$0x3FD2] =	sst s25  }
0xad: {  	s7 =	sshll.u32 s26, $0x1;
	_ =	strace $0x80000046;
	[dreg:$0x1] =	wrdreg $0xFFFFFFFF  }
0xae: {  	s28 =	simm.s32 $_size_execute0_lowered;
	s6 =	sadd.s32 s6, s7;
	[dreg:$0x0] =	wrdreg $0x0  }
0xaf: {  	s7 =	sshll.u32 s28, $0x1;
	[dreg:$0x2] =	wrdreg s6  }
0xb0: {  	[dreg:$0x3] =	wrdreg s7  }
0xb1: {  	[dreg:$0x4] =	wrdreg $0xC0  }
0xb2: {  	_ =	task [dreg:s10], $0x5FFFF  }
0xb3: {  	[dreg:$0x1] =	wrdreg $0xFFFFFFFF  }
0xb4: {  	[dreg:$0x0] =	wrdreg $0x60  }
0xb5: {  	[dreg:$0x2] =	wrdreg s16  }
0xb6: {  	[dreg:$0x3] =	wrdreg s4  }
0xb7: {  	[dreg:$0x4] =	wrdreg s17  }
0xb8: {  	[dreg:$0x5] =	wrdreg s18  }
0xb9: {  	[dreg:$0x6] =	wrdreg $0xAA800  }
0xba: {  	[dreg:$0x7] =	wrdreg $0x1E3000  }
0xbb: {  	[dreg:$0x8] =	wrdreg $0x9  }
0xbc: {  	_ =	task.clear_ibuf [dreg:s10], $0x9FFFF;
	_ =	strace $0x90000046  }
0xbd: {  	s29 =	simm.s32 $0x9;
	_ =	strace $0x80000048  }
0xbe: {  	_ =	swait.ge [sflag:s29], $0x1  }
0xbf: {  	[sflag:s29] =	ssyncadd.s32 $0xFFFFFFFF  }
0xc0: {  	_ =	strace $0x90000048  }
0xc1: {  	_ =	sfence  }
0xc2: {  	s30 =	sld [smem:$0x0];
	_ =	sdelay $0x2  }
0xc3: {  	s31 =	sshll.u32 s1, $0xD;
	s1 =	sshrl.u32 s1, $0x2  }
0xc4: {  	s3 =	sand.u32 $0x4000, s31;
	s1 =	sadd.s32 s1, s30  }
0xc5: {  	s0 =	sor.u32 s3, s0;
	s1 =	sshll.u32 s1, $0x11  }
0xc6: {  	s0 =	sor.u32 s1, s0  }
0xc7: {  	s0 =	sadd.s32 $0x8F2B, s0  }
0xc8: {  	[sflag:s0] =	ssyncadd.remote.s32 $0x1  }
0xc9: {  	_ =	sfence.sel $0xFFFF  }
0xca: {  	[dreg:$0x0] =	wrdreg $0xFFFFFFFF;
	(pc) =	sbr.abs _section_cstart, $3  }
0xcb: {  	[dreg:$0x1] =	wrdreg $0xFFFFFFFF  }
0xcc: {  	_ =	task.clear_ibuf [dreg:s10], $0x2FFFF;
	_ =	strace $0x9FFFFFFF  }
0xcd: {  	(tm) =	ssettm $0x7FFFFFFF  }
tec
execute0_lowered:
.L_overlay_start_1:
0x0: {  	(tag) =	ssettag $0x1  }
0x1: {  	s1 =	rddreg [dreg:$0x0]  }
0x2: {  	s0 =	rddreg [dreg:$0x1]  }
0x3: {  	s2 =	rddreg [dreg:$0x2];
	s3 =	srdreg.scid  }
0x4: {  	s6 =	rddreg [dreg:$0x3];
	s12 =	stileid.u32  }
0x5: {  	s4 =	rddreg [dreg:$0x5];
	s7 =	sand.u32 $0x1, s3;
	s26 =	smul.u32 $0x3E8, s12  }
0x6: {  	s28 =	simm.s32 $0x100;
	s3 =	rddreg [dreg:$0x4];
	s16 =	smul.u32 $0x27100, s7  }
0x7: {  	s5 =	sshll.u32 s7, $0x4;
	s9 =	ssub.s32 $0x2, s7;
	s7 =	smul.u32 $0x2710, s7  }
0x8: {  	s8 =	sor.u32 s12, s5;
	s5 =	simm.s32 $0x0;
	s10 =	sshrl.u32 s9, $0x1  }
0x9: {  	s17 =	sadd.s32 s26, s4;
	s8 =	smul.u32 $0x2710, s8;
	[smem:$0x7FF] =	sst s5  }
0xa: {  	s9 =	ssub.s32 s9, s10;
	s7 =	sadd.s32 s26, s7;
	_ =	strace $0x80000047  }
0xb: {  	[dreg:$0xd] =	wrdreg s17;
	s7 =	sshrl.u32 s7, $0x3;
	s9 =	smax.u32 s9, $0x1  }
0xc: {  	s8 =	sshrl.u32 s8, $0x3;
	s6 =	sadd.s32 s6, s7;
	[dreg:$0x15] =	wrdreg s9  }
0xd: {  	s29 =	simm.s32 $0x5600;
	s13 =	sadd.s32 s1, s8;
	[dreg:$0x11] =	wrdreg s6  }
0xe: {  	s30 =	simm.s32 $0x7E00;
	s25 =	sadd.s32 $0xA, s13;
	[dreg:$0x7] =	wrdreg s13  }
0xf: {  	s31 =	simm.s32 $0x400;
	s11 =	sadd.s32 $0x14, s13;
	[dreg:$0x8] =	wrdreg s25  }
0x10: {  	s24 =	smul.u32 $0x7D000, s12;
	s14 =	sadd.s32 $0x1E, s13;
	[dreg:$0x9] =	wrdreg s11  }
0x11: {  	s18 =	smul.u32 $0x2710, s12;
	s15 =	sadd.s32 $0x28, s13;
	[dreg:$0xa] =	wrdreg s14  }
0x12: {  	p0 =	sgt.u32 s12, $0x9;
	s19 =	sadd.s32 $0x32, s13;
	[dreg:$0xe] =	wrdreg s15  }
0x13: {  	s8 =	sshrl.u32 s24, $0x2;
	s20 =	sadd.s32 $0x3C, s13;
	[dreg:$0xf] =	wrdreg s19  }
0x14: {  	s2 =	sadd.s32 s2, s16;
	s14 =	sadd.s32 s8, s3;
	[dreg:$0x10] =	wrdreg s20  }
0x15: {  	s10 =	sadd.s32 $0x3C0, s26;
	s8 =	sadd.s32 $0x1E000, s14;
	[dreg:$0xb] =	wrdreg s14  }
0x16: {  	s25 =	smul.u32 $0x3E80, s12;
	s12 =	sadd.s32 $0x7800, s14;
	[dreg:$0xc] =	wrdreg s8  }
0x17: {  	s9 =	simm.s32 $0x1;
	s15 =	sadd.s32 $0xC800, s14;
	[dreg:$0x18] =	wrdreg s12  }
0x18: {  	s6 =	sshll.u32 s10, $0x4;
	s8 =	sadd.s32 s18, s16;
	[dreg:$0x1a] =	wrdreg s15  }
0x19: {  	s16 =	sadd.s32 $0xF000, s14;
	s15 =	simm.s32 $0x80;
	s11 =	sadd.s32 $0x370, s8  }
0x1a: {  	s22 =	sadd.s32 $0x320, s8;
	s24 =	sadd.s32 $0x2D0, s8;
	s8 =	sadd.s32 $0x280, s8  }
0x1b: {  	[dreg:$0x1b] =	wrdreg s16;
	s16 =	simm.s32 $0x480;
	s21 =	sshrl.u32 s11, $0x3  }
0x1c: {  	s23 =	sshrl.u32 s22, $0x3;
	s7 =	sshrl.u32 s24, $0x3;
	s26 =	sshrl.u32 s8, $0x3  }
0x1d: {  	s8 =	sshll.u32 s10, $0x7;
	s10 =	sadd.s32 $0x2800, s14;
	s11 =	sadd.s32 $0x5000, s14  }
0x1e: {  	s22 =	sadd.s32 $0x11800, s14;
	s24 =	sadd.s32 $0x16800, s14;
	s17 =	sadd.s32 s21, s1  }
0x1f: {  	s18 =	sadd.s32 s23, s1;
	s19 =	sadd.s32 s7, s1;
	[dreg:$0x16] =	wrdreg s10  }
0x20: {  	s20 =	sadd.s32 s26, s1;
	s21 =	sadd.s32 s2, s25;
	[dreg:$0x17] =	wrdreg s11  }
0x21: {  	s1 =	sadd.s32 s6, s2;
	s7 =	sadd.s32 $0x46, s13;
	[dreg:$0x1c] =	wrdreg s22  }
0x22: {  	s13 =	sadd.s32 $0xA000, s14;
	s23 =	sadd.s32 $0x14000, s14;
	[dreg:$0x1e] =	wrdreg s24  }
0x23: {  	s25 =	sadd.s32 $0x19000, s14;
	s26 =	sadd.s32 $0x1B800, s14;
	[dreg:$0x12] =	wrdreg s1  }
0x24: {  	s14 =	simm.s32 $0x50;
	s11 =	simm.s32 $0x9;
	[dreg:$0x13] =	wrdreg s7  }
0x25: {  	s2 =	simm.s32 $0xAA00;
	s22 =	simm.s32 $0x3;
	[dreg:$0x19] =	wrdreg s13  }
.Ltmp0:
0x26: {  	s24 =	simm.s32 $0x500;
	[dreg:$0x1d] =	wrdreg s23;
	(pc) =	sbr.rel .LBB2_1-.Ltmp0, $4  }
0x27: {  	s6 =	simm.s32 $0x580;
	s10 =	simm.s32 $0x0;
	[dreg:$0x1f] =	wrdreg s25  }
0x28: {  	s1 =	sadd.s32 s8, s3;
	[smem:$0x7FD] =	sst s26;
	s13 =	simm.s32 $0x5  }
0x29: {  	s25 =	simm.s32 $0x200;
	s23 =	simm.s32 $0x600;
	s7 =	simm.s32 $0x4  }
0x2a: {  	v0 =	vimm.f32 $0.0e+00;
	v1 =	vimm.f32 $1.000000000e+00;
	s26 =	simm.s32 $0x200;
	[dreg:$0x14] =	wrdreg s1;
	s1 =	simm.s32 $0x2  }
.LBB2_10:
0x2b: {  	[sflag:s11] =	ssyncadd.s32 $0xFFFFD800;
	s8 =	rddreg [dreg:$0x14]  }
0x2c: {  	[tilespmem:s23], [sflag:$0x9] =	stream.linear.gather [spmem:s8], $0x1400, $0x38;
	[tilespmem:$0x1E578] =	vst v63  }
0x2d: {  	_ =	swait.ge [sflag:s11], $0x1400  }
0x2e: {  	[sflag:s11] =	ssyncset.done $0x0  }
0x2f: {  	s10 =	rddreg [dreg:$0x12];
	[sflag:s11] =	ssyncadd.s32 $0xFFFFEC00  }
0x30: {  	[hbm4b:s10+s5] =	stream.linear.scatter [tilespmem:s23], [sflag:$0x9], $0x1400, $0x38;
	[tilespmem:$0x1E578] =	vst v63  }
0x31: {  	_ =	swait.ge [sflag:s11], $0x1400  }
0x32: {  	[sflag:s11] =	ssyncset.done $0x0  }
0x33: {  	s10 =	simm.s32 $0xA600;
	s12 =	rddreg [dreg:$0xd];
	[sflag:s11] =	ssyncadd.s32 $0xFFFFEC00  }
0x34: {  	[tilespmem:s10], [sflag:$0x9] =	stream.linear.gather [spmem:s12], $0x3E8, $0x38;
	[tilespmem:$0x1E578] =	vst v63  }
0x35: {  	_ =	swait.ge [sflag:s11], $0x3E8  }
0x36: {  	[sflag:s11] =	ssyncset.done $0x0  }
0x37: {  	s15 =	rddreg [dreg:$0x11];
	[sflag:s11] =	ssyncadd.s32 $0xFFFFFC18  }
0x38: {  	[hbm4b:s15+s5] =	stream.linear.scatter [tilespmem:s10], [sflag:$0x9], $0x3E8, $0x38;
	[tilespmem:$0x1E578] =	vst v63  }
0x39: {  	_ =	swait.ge [sflag:s11], $0x3E8  }
0x3a: {  	[sflag:s11] =	ssyncset.done $0x0  }
0x3b: {  	s10 =	sld [smem:$0x7FC];
	[sflag:s11] =	ssyncadd.s32 $0xFFFFFC18  }
.LBB2_11:
0x3c: {  	_ =	sdelay $0x1  }
0x3d: {  	s8 =	rddreg [dreg:$0x15];
	s10 =	sadd.s32 $0x1, s10  }
0x3e: {  	p1 =	sne.s32 s10, s8  }
.Ltmp1:
0x3f: {  	_ = 	snop;
	(pc) =	sbr.rel @!p1 .LBB2_12-.Ltmp1, $2  }
0x40: {  	_ =	sdelay $0x2  }
0x41: {  	s15 =	simm.s32 $0x80  }
.LBB2_1:
0x42: {  	[smem:$0x7FC] =	sst s10  }
0x43: {  	s8 =	rddreg [dreg:$0x7]  }
0x44: {  	[tilespmem:s5], [sflag:$0x5] =	stream.linear.gather [hbm4b:s8+s5], $0x50, $0x38;
	[tilespmem:$0x1E578] =	vst v63  }
0x45: {  	s10 =	rddreg [dreg:$0x8]  }
0x46: {  	[tilespmem:s15], [sflag:$0x6] =	stream.linear.gather [hbm4b:s10+s5], $0x50, $0x38;
	[tilespmem:$0x1E578] =	vst v63  }
0x47: {  	s12 =	rddreg [dreg:$0x9]  }
0x48: {  	[tilespmem:s28], [sflag:$0x7] =	stream.linear.gather [hbm4b:s12+s5], $0x50, $0x38;
	[tilespmem:$0x1E578] =	vst v63  }
0x49: {  	s10 =	rddreg [dreg:$0xa];
	s12 =	simm.s32 $0x180  }
0x4a: {  	[tilespmem:s12], [sflag:$0x8] =	stream.linear.gather [hbm4b:s10+s5], $0x50, $0x38;
	[tilespmem:$0x1E578] =	vst v63  }
0x4b: {  	s8 =	simm.s32 $0x0;
	s10 =	simm.s32 $0x200  }
.LBB2_2:
0x4c: {  	p1 =	sne.s32 s10, $0x9E00;
	[tilespmem:s8+$0x670] =	vst v0  }
0x4d: {  	[tilespmem:s8+$0x600] =	vst v0  }
0x4e: {  	[tilespmem:s8+$0x610] =	vst v0  }
.Ltmp2:
0x4f: {  	[tilespmem:s8+$0x620] =	vst v0;
	(pc) =	sbr.rel @p1 .LBB2_2-.Ltmp2, $4  }
0x50: {  	[tilespmem:s8+$0x630] =	vst v0  }
0x51: {  	[tilespmem:s8+$0x640] =	vst v0  }
0x52: {  	[tilespmem:s8+$0x650] =	vst v0  }
0x53: {  	[tilespmem:s8+$0x660] =	vst v0;
	s8 =	sshra.s32 s10, $0x2;
	s10 =	sadd.s32 $0x200, s10  }
0x54: {  	[tilespmem:s8+$0x670] =	vst v0  }
0x55: {  	[tilespmem:s8+$0x600] =	vst v0  }
0x56: {  	[tilespmem:s8+$0x610] =	vst v0  }
0x57: {  	[tilespmem:s8+$0x620] =	vst v0  }
0x58: {  	[tilespmem:s8+$0x630] =	vst v0  }
0x59: {  	[tilespmem:s8+$0x640] =	vst v0  }
0x5a: {  	[tilespmem:s8+$0x650] =	vst v0  }
0x5b: {  	[tilespmem:s8+$0x660] =	vst v0;
	s8 =	simm.s32 $0x40;
	s10 =	simm.s32 $0x0  }
.LBB2_4:
0x5c: {  	p1 =	sne.s32 s8, $0xF40;
	[tilespmem:s10+$0xA600] =	vst v0;
	s10 =	smov.u32 s8;
	s8 =	sadd.s32 $0x40, s8  }
.Ltmp3:
0x5d: {  	(pc) =	sbr.rel @p1 .LBB2_4-.Ltmp3, $2  }
0x5e: {  	_ =	sdelay $0x2  }
0x5f: {  	s10 =	sshra.s32 s10, $0x2  }
0x60: {  	[tilespmem:s10+$0xA600] =	vst v0  }
0x61: {  	[tilespmem:$0xAA00] =	vst v1  }
0x62: {  	[tilespmem:$0xAA10] =	vst v1  }
0x63: {  	[tilespmem:$0xAA20] =	vst v1  }
0x64: {  	[tilespmem:$0xAA30] =	vst v1  }
0x65: {  	s8 =	simm.s32 @!p0 $0x600;
	s10 =	rddreg [dreg:$0xb];
	[tilespmem:$0xAA40] =	vst v1  }
0x66: {  	[spmem:s10] =	stream.linear.scatter @!p0 [tilespmem:s8], [sflag:$0x9], $0x2800, $0x38;
	[tilespmem:$0x1E578] =	vst v63  }
0x67: {  	s10 =	simm.s32 @!p0 $0x9  }
0x68: {  	_ =	swait.ge @!p0 [sflag:s10], $0x2800  }
0x69: {  	[sflag:s10] =	ssyncset.done @!p0 $0x0  }
0x6a: {  	s12 =	rddreg [dreg:$0x16];
	[sflag:s10] =	ssyncadd.s32 @!p0 $0xFFFFD800  }
0x6b: {  	[spmem:s12] =	stream.linear.scatter @!p0 [tilespmem:s8], [sflag:$0x9], $0x2800, $0x38;
	[tilespmem:$0x1E578] =	vst v63  }
0x6c: {  	_ =	swait.ge @!p0 [sflag:s10], $0x2800  }
0x6d: {  	[sflag:s10] =	ssyncset.done @!p0 $0x0  }
0x6e: {  	s12 =	rddreg [dreg:$0x17];
	[sflag:s10] =	ssyncadd.s32 @!p0 $0xFFFFD800  }
0x6f: {  	[spmem:s12] =	stream.linear.scatter @!p0 [tilespmem:s8], [sflag:$0x9], $0x2800, $0x38;
	[tilespmem:$0x1E578] =	vst v63  }
0x70: {  	_ =	swait.ge @!p0 [sflag:s10], $0x2800  }
0x71: {  	[sflag:s10] =	ssyncset.done @!p0 $0x0  }
0x72: {  	s12 =	rddreg [dreg:$0x18];
	[sflag:s10] =	ssyncadd.s32 @!p0 $0xFFFFD800  }
0x73: {  	[spmem:s12] =	stream.linear.scatter @!p0 [tilespmem:s8], [sflag:$0x9], $0x2800, $0x38;
	[tilespmem:$0x1E578] =	vst v63  }
0x74: {  	_ =	swait.ge @!p0 [sflag:s10], $0x2800  }
0x75: {  	[sflag:s10] =	ssyncset.done @!p0 $0x0  }
0x76: {  	s12 =	rddreg [dreg:$0x19];
	[sflag:s10] =	ssyncadd.s32 @!p0 $0xFFFFD800  }
0x77: {  	[spmem:s12] =	stream.linear.scatter @!p0 [tilespmem:s8], [sflag:$0x9], $0x2800, $0x38;
	[tilespmem:$0x1E578] =	vst v63  }
0x78: {  	_ =	swait.ge @!p0 [sflag:s10], $0x2800  }
0x79: {  	[sflag:s10] =	ssyncset.done @!p0 $0x0  }
0x7a: {  	s12 =	rddreg [dreg:$0x1a];
	[sflag:s10] =	ssyncadd.s32 @!p0 $0xFFFFD800  }
0x7b: {  	[spmem:s12] =	stream.linear.scatter @!p0 [tilespmem:s8], [sflag:$0x9], $0x2800, $0x38;
	[tilespmem:$0x1E578] =	vst v63  }
0x7c: {  	_ =	swait.ge @!p0 [sflag:s10], $0x2800  }
0x7d: {  	[sflag:s10] =	ssyncset.done @!p0 $0x0  }
0x7e: {  	s12 =	rddreg [dreg:$0x1b];
	[sflag:s10] =	ssyncadd.s32 @!p0 $0xFFFFD800  }
0x7f: {  	[spmem:s12] =	stream.linear.scatter @!p0 [tilespmem:s8], [sflag:$0x9], $0x2800, $0x38;
	[tilespmem:$0x1E578] =	vst v63  }
0x80: {  	_ =	swait.ge @!p0 [sflag:s10], $0x2800  }
0x81: {  	[sflag:s10] =	ssyncset.done @!p0 $0x0  }
0x82: {  	s12 =	rddreg [dreg:$0x1c];
	[sflag:s10] =	ssyncadd.s32 @!p0 $0xFFFFD800  }
0x83: {  	[spmem:s12] =	stream.linear.scatter @!p0 [tilespmem:s8], [sflag:$0x9], $0x2800, $0x38;
	[tilespmem:$0x1E578] =	vst v63  }
0x84: {  	_ =	swait.ge @!p0 [sflag:s10], $0x2800  }
0x85: {  	[sflag:s10] =	ssyncset.done @!p0 $0x0  }
0x86: {  	s12 =	rddreg [dreg:$0x1d];
	[sflag:s10] =	ssyncadd.s32 @!p0 $0xFFFFD800  }
0x87: {  	[spmem:s12] =	stream.linear.scatter @!p0 [tilespmem:s8], [sflag:$0x9], $0x2800, $0x38;
	[tilespmem:$0x1E578] =	vst v63  }
0x88: {  	_ =	swait.ge @!p0 [sflag:s10], $0x2800  }
0x89: {  	[sflag:s10] =	ssyncset.done @!p0 $0x0  }
0x8a: {  	s12 =	rddreg [dreg:$0x1e];
	[sflag:s10] =	ssyncadd.s32 @!p0 $0xFFFFD800  }
0x8b: {  	[spmem:s12] =	stream.linear.scatter @!p0 [tilespmem:s8], [sflag:$0x9], $0x2800, $0x38;
	[tilespmem:$0x1E578] =	vst v63  }
0x8c: {  	_ =	swait.ge @!p0 [sflag:s10], $0x2800  }
0x8d: {  	[sflag:s10] =	ssyncset.done @!p0 $0x0  }
0x8e: {  	s12 =	rddreg [dreg:$0x1f];
	[sflag:s10] =	ssyncadd.s32 @!p0 $0xFFFFD800  }
0x8f: {  	[spmem:s12] =	stream.linear.scatter @!p0 [tilespmem:s8], [sflag:$0x9], $0x2800, $0x38;
	[tilespmem:$0x1E578] =	vst v63  }
0x90: {  	_ =	swait.ge @!p0 [sflag:s10], $0x2800  }
0x91: {  	s12 =	sld [smem:$0x7FD]  }
0x92: {  	[sflag:s10] =	ssyncset.done @!p0 $0x0  }
0x93: {  	[sflag:s10] =	ssyncadd.s32 @!p0 $0xFFFFD800  }
0x94: {  	[spmem:s12] =	stream.linear.scatter @!p0 [tilespmem:s8], [sflag:$0x9], $0x2800, $0x38;
	[tilespmem:$0x1E578] =	vst v63  }
0x95: {  	_ =	swait.ge @!p0 [sflag:s10], $0x2800  }
0x96: {  	[sflag:s10] =	ssyncset.done @!p0 $0x0  }
0x97: {  	s12 =	rddreg [dreg:$0xc];
	[sflag:s10] =	ssyncadd.s32 @!p0 $0xFFFFD800  }
0x98: {  	[spmem:s12] =	stream.linear.scatter @!p0 [tilespmem:s8], [sflag:$0x9], $0x1400, $0x38;
	[tilespmem:$0x1E578] =	vst v63  }
0x99: {  	_ =	swait.ge @!p0 [sflag:s10], $0x1400  }
0x9a: {  	[sflag:s10] =	ssyncset.done @!p0 $0x0  }
0x9b: {  	s8 =	simm.s32 @!p0 $0xA600;
	s12 =	rddreg [dreg:$0xd];
	[sflag:s10] =	ssyncadd.s32 @!p0 $0xFFFFEC00  }
0x9c: {  	[spmem:s12] =	stream.linear.scatter @!p0 [tilespmem:s8], [sflag:$0x9], $0x3E8, $0x38;
	[tilespmem:$0x1E578] =	vst v63  }
0x9d: {  	_ =	swait.ge @!p0 [sflag:s10], $0x3E8  }
0x9e: {  	[sflag:s10] =	ssyncset.done @!p0 $0x0  }
0x9f: {  	[sflag:s10] =	ssyncadd.s32 @!p0 $0xFFFFFC18  }
0xa0: {  	_ =	swait.ge [sflag:s13], $0x50  }
0xa1: {  	[sflag:s13] =	ssyncset.done $0x0  }
0xa2: {  	[sflag:s13] =	ssyncadd.s32 $0xFFFFFFB0  }
0xa3: {  	v2 =	vld [tilespmem:$0x0];
	_ =	sdelay $0x1  }
0xa4: {  	v3 =	vld [tilespmem:$0x10];
	_ =	sdelay $0x1  }
0xa5: {  	v4 =	vld [tilespmem:$0x20]  }
0xa6: {  	v5 =	vand.u32 $0xFFFF, v2  }
0xa7: {  	v54 =	vld [tilespmem:$0x30];
	v2 =	vshrl.u32 v2, $0x10;
	[tilespmem:$0x200] =	vst v5  }
0xa8: {  	[tilespmem:$0x400] =	vst v2;
	v2 =	vand.u32 $0xFFFF, v3  }
0xa9: {  	[tilespmem:$0x210] =	vst v2;
	v2 =	vshrl.u32 v3, $0x10;
	v3 =	vld [tilespmem:$0x40]  }
0xaa: {  	[tilespmem:$0x410] =	vst v2;
	v2 =	vand.u32 $0xFFFF, v4  }
0xab: {  	[tilespmem:$0x220] =	vst v2;
	v2 =	vshrl.u32 v4, $0x10  }
0xac: {  	[tilespmem:$0x420] =	vst v2;
	v2 =	vand.u32 $0xFFFF, v54  }
0xad: {  	[tilespmem:$0x230] =	vst v2;
	v2 =	vshrl.u32 v54, $0x10  }
0xae: {  	[tilespmem:$0x430] =	vst v2;
	v2 =	vand.u32 $0xFFFF, v3  }
0xaf: {  	[tilespmem:$0x240] =	vst v2;
	v2 =	vshrl.u32 v3, $0x10  }
0xb0: {  	[tilespmem:$0x440] =	vst v2  }
0xb1: {  	[tilespmem:s23], [sflag:$0x1] =	stream.indirect.gather [hbm4b:s0+s14], $0x80, s25, s14, $0xb8;
	[tilespmem:$0x1E578] =	vst v63  }
0xb2: {  	s12 =	simm.s32 $0x6;
	s10 =	rddreg [dreg:$0xe];
	s25 =	simm.s32 $0x0  }
0xb3: {  	[tilespmem:s25], [sflag:$0x5] =	stream.linear.gather [hbm4b:s10+s25], $0x50, $0x38;
	[tilespmem:$0x1E578] =	vst v63  }
0xb4: {  	_ =	swait.ge [sflag:s12], $0x50  }
0xb5: {  	[sflag:s12] =	ssyncset.done $0x0  }
0xb6: {  	[sflag:s12] =	ssyncadd.s32 $0xFFFFFFB0  }
0xb7: {  	v2 =	vld [tilespmem:$0x80];
	_ =	sdelay $0x1  }
0xb8: {  	v3 =	vld [tilespmem:$0x90];
	_ =	sdelay $0x1  }
0xb9: {  	v55 =	vld [tilespmem:$0xA0]  }
0xba: {  	v56 =	vand.u32 $0xFFFF, v2  }
0xbb: {  	v57 =	vld [tilespmem:$0xB0];
	v2 =	vshrl.u32 v2, $0x10;
	[tilespmem:$0x280] =	vst v56  }
0xbc: {  	[tilespmem:$0x480] =	vst v2;
	v2 =	vand.u32 $0xFFFF, v3  }
0xbd: {  	[tilespmem:$0x290] =	vst v2;
	v2 =	vshrl.u32 v3, $0x10;
	v3 =	vld [tilespmem:$0xC0]  }
0xbe: {  	[tilespmem:$0x490] =	vst v2;
	v2 =	vand.u32 $0xFFFF, v55  }
0xbf: {  	[tilespmem:$0x2A0] =	vst v2;
	v2 =	vshrl.u32 v55, $0x10  }
0xc0: {  	[tilespmem:$0x4A0] =	vst v2;
	v2 =	vand.u32 $0xFFFF, v57  }
0xc1: {  	[tilespmem:$0x2B0] =	vst v2;
	v2 =	vshrl.u32 v57, $0x10  }
0xc2: {  	[tilespmem:$0x4B0] =	vst v2;
	v2 =	vand.u32 $0xFFFF, v3  }
0xc3: {  	[tilespmem:$0x2C0] =	vst v2;
	v2 =	vshrl.u32 v3, $0x10  }
0xc4: {  	s10 =	simm.s32 $0x280;
	s12 =	simm.s32 $0x2E00;
	[tilespmem:$0x4C0] =	vst v2  }
0xc5: {  	[tilespmem:s12], [sflag:$0x2] =	stream.indirect.gather [hbm4b:s0+s14], $0x80, s10, s14, $0xb8;
	[tilespmem:$0x1E578] =	vst v63  }
0xc6: {  	s10 =	rddreg [dreg:$0xf]  }
0xc7: {  	[tilespmem:s15], [sflag:$0x6] =	stream.linear.gather [hbm4b:s10+s25], $0x50, $0x38;
	[tilespmem:$0x1E578] =	vst v63  }
0xc8: {  	s15 =	simm.s32 $0x7  }
0xc9: {  	_ =	swait.ge [sflag:s15], $0x50  }
0xca: {  	[sflag:s15] =	ssyncset.done $0x0  }
0xcb: {  	[sflag:s15] =	ssyncadd.s32 $0xFFFFFFB0  }
0xcc: {  	v2 =	vld [tilespmem:$0x100];
	_ =	sdelay $0x1  }
0xcd: {  	v3 =	vld [tilespmem:$0x110];
	_ =	sdelay $0x1  }
0xce: {  	v58 =	vld [tilespmem:$0x120]  }
0xcf: {  	v59 =	vand.u32 $0xFFFF, v2  }
0xd0: {  	v60 =	vld [tilespmem:$0x130];
	v2 =	vshrl.u32 v2, $0x10;
	[tilespmem:$0x300] =	vst v59  }
0xd1: {  	[tilespmem:$0x500] =	vst v2;
	v2 =	vand.u32 $0xFFFF, v3  }
0xd2: {  	[tilespmem:$0x310] =	vst v2;
	v2 =	vshrl.u32 v3, $0x10;
	v3 =	vld [tilespmem:$0x140]  }
0xd3: {  	[tilespmem:$0x510] =	vst v2;
	v2 =	vand.u32 $0xFFFF, v58  }
0xd4: {  	[tilespmem:$0x320] =	vst v2;
	v2 =	vshrl.u32 v58, $0x10  }
0xd5: {  	[tilespmem:$0x520] =	vst v2;
	v2 =	vand.u32 $0xFFFF, v60  }
0xd6: {  	[tilespmem:$0x330] =	vst v2;
	v2 =	vshrl.u32 v60, $0x10  }
0xd7: {  	[tilespmem:$0x530] =	vst v2;
	v2 =	vand.u32 $0xFFFF, v3  }
0xd8: {  	[tilespmem:$0x340] =	vst v2;
	v2 =	vshrl.u32 v3, $0x10  }
0xd9: {  	s10 =	simm.s32 $0x300;
	[tilespmem:$0x540] =	vst v2  }
0xda: {  	[tilespmem:s29], [sflag:$0x3] =	stream.indirect.gather [hbm4b:s0+s14], $0x80, s10, s14, $0xb8;
	[tilespmem:$0x1E578] =	vst v63  }
0xdb: {  	s15 =	rddreg [dreg:$0x10];
	s10 =	simm.s32 $0x8  }
0xdc: {  	[tilespmem:s28], [sflag:$0x7] =	stream.linear.gather [hbm4b:s15+s25], $0x50, $0x38;
	[tilespmem:$0x1E578] =	vst v63  }
0xdd: {  	_ =	swait.ge [sflag:s10], $0x50  }
0xde: {  	[sflag:s10] =	ssyncset.done $0x0  }
0xdf: {  	[sflag:s10] =	ssyncadd.s32 $0xFFFFFFB0  }
0xe0: {  	v2 =	vld [tilespmem:$0x180];
	_ =	sdelay $0x1  }
0xe1: {  	v3 =	vld [tilespmem:$0x190];
	_ =	sdelay $0x1  }
0xe2: {  	v61 =	vld [tilespmem:$0x1A0]  }
0xe3: {  	v62 =	vand.u32 $0xFFFF, v2  }
0xe4: {  	v63 =	vld [tilespmem:$0x1B0];
	v2 =	vshrl.u32 v2, $0x10;
	[tilespmem:$0x380] =	vst v62  }
0xe5: {  	[tilespmem:$0x580] =	vst v2;
	v2 =	vand.u32 $0xFFFF, v3  }
0xe6: {  	[tilespmem:$0x390] =	vst v2;
	v2 =	vshrl.u32 v3, $0x10;
	v3 =	vld [tilespmem:$0x1C0]  }
0xe7: {  	[tilespmem:$0x590] =	vst v2;
	v2 =	vand.u32 $0xFFFF, v61  }
0xe8: {  	[tilespmem:$0x3A0] =	vst v2;
	v2 =	vshrl.u32 v61, $0x10  }
0xe9: {  	[tilespmem:$0x5A0] =	vst v2;
	v2 =	vand.u32 $0xFFFF, v63  }
0xea: {  	[tilespmem:$0x3B0] =	vst v2;
	v2 =	vshrl.u32 v63, $0x10  }
0xeb: {  	[tilespmem:$0x5B0] =	vst v2;
	v2 =	vand.u32 $0xFFFF, v3  }
0xec: {  	[tilespmem:$0x3C0] =	vst v2;
	v2 =	vshrl.u32 v3, $0x10  }
0xed: {  	s15 =	simm.s32 $0x380;
	[tilespmem:$0x5C0] =	vst v2  }
0xee: {  	[tilespmem:s30], [sflag:$0x4] =	stream.indirect.gather [hbm4b:s0+s14], $0x80, s15, s14, $0xb8;
	[tilespmem:$0x1E578] =	vst v63  }
0xef: {  	s10 =	rddreg [dreg:$0x13];
	s15 =	simm.s32 $0x180  }
0xf0: {  	[tilespmem:s15], [sflag:$0x8] =	stream.linear.gather [hbm4b:s10+s25], $0x50, $0x38;
	[tilespmem:$0x1E578] =	vst v63  }
0xf1: {  	s28 =	simm.s32 $0x0;
	[bflag:$0x0] =	sbarrier.arrive $0xFFFF  }
.LBB2_6:
0xf2: {  	_ =	swait.ge [sflag:s9], $0x2800  }
0xf3: {  	[sflag:s9] =	ssyncset.done $0x0  }
0xf4: {  	[sflag:s9] =	ssyncadd.s32 $0xFFFFD800  }
0xf5: {  	[spmem:s3] =	stream.indirect.scatter.add.f32 [tilespmem:s23], [sflag:$0x9], $0x80, s31, s14, $0xb8;
	[tilespmem:$0x1E578] =	vst v63  }
0xf6: {  	_ =	swait.ge [sflag:s11], $0x2800  }
0xf7: {  	[sflag:s11] =	ssyncset.done $0x0  }
0xf8: {  	[sflag:s11] =	ssyncadd.s32 $0xFFFFD800  }
0xf9: {  	[spmem:s4] =	stream.indirect.scatter.add.f32 [tilespmem:s2], [sflag:$0x9], $0x1, s31, s14, $0xb8;
	[tilespmem:$0x1E578] =	vst v63  }
0xfa: {  	_ =	swait.ge [sflag:s11], $0x50  }
0xfb: {  	[sflag:s11] =	ssyncset.done $0x0  }
0xfc: {  	[sflag:s11] =	ssyncadd.s32 $0xFFFFFFB0  }
0xfd: {  	_ =	swait.ge [sflag:s13], $0x50  }
0xfe: {  	[sflag:s13] =	ssyncset.done $0x0  }
0xff: {  	[sflag:s13] =	ssyncadd.s32 $0xFFFFFFB0  }
0x100: {  	v2 =	vld [tilespmem:$0x0];
	_ =	sdelay $0x1  }
0x101: {  	v3 =	vld [tilespmem:$0x10];
	_ =	sdelay $0x1  }
0x102: {  	v4 =	vld [tilespmem:$0x20]  }
0x103: {  	v5 =	vand.u32 $0xFFFF, v2  }
0x104: {  	v63 =	vld [tilespmem:$0x30];
	v2 =	vshrl.u32 v2, $0x10;
	[tilespmem:$0x200] =	vst v5  }
0x105: {  	[tilespmem:$0x400] =	vst v2;
	v2 =	vand.u32 $0xFFFF, v3  }
0x106: {  	[tilespmem:$0x210] =	vst v2;
	v2 =	vshrl.u32 v3, $0x10;
	v3 =	vld [tilespmem:$0x40]  }
0x107: {  	[tilespmem:$0x410] =	vst v2;
	v2 =	vand.u32 $0xFFFF, v4  }
0x108: {  	[tilespmem:$0x220] =	vst v2;
	v2 =	vshrl.u32 v4, $0x10  }
0x109: {  	[tilespmem:$0x420] =	vst v2;
	v2 =	vand.u32 $0xFFFF, v63  }
0x10a: {  	[tilespmem:$0x230] =	vst v2;
	v2 =	vshrl.u32 v63, $0x10  }
0x10b: {  	[tilespmem:$0x430] =	vst v2;
	v2 =	vand.u32 $0xFFFF, v3  }
0x10c: {  	[tilespmem:$0x240] =	vst v2;
	v2 =	vshrl.u32 v3, $0x10  }
0x10d: {  	p1 =	seq.s32 s25, $0x4B0;
	[tilespmem:$0x440] =	vst v2  }
0x10e: {  	[tilespmem:s23], [sflag:$0x1] =	stream.indirect.gather [hbm4b:s0+s14], $0x80, s26, s14, $0xb8;
	[tilespmem:$0x1E578] =	vst v63  }
0x10f: {  	s8 =	sadd.s32 @!p1 s25, s20;
	s10 =	simm.s32 @!p1 $0x0  }
0x110: {  	[tilespmem:s10], [sflag:$0x5] =	stream.linear.gather @!p1 [hbm4b:s8+s10], $0x50, $0x38;
	[tilespmem:$0x1E578] =	vst v63  }
0x111: {  	_ =	swait.ge [sflag:s1], $0x2800  }
0x112: {  	[sflag:s1] =	ssyncset.done $0x0  }
0x113: {  	[sflag:s1] =	ssyncadd.s32 $0xFFFFD800  }
0x114: {  	[spmem:s3] =	stream.indirect.scatter.add.f32 [tilespmem:s12], [sflag:$0x9], $0x80, s16, s14, $0xb8;
	[tilespmem:$0x1E578] =	vst v63  }
0x115: {  	_ =	swait.ge [sflag:s11], $0x2800  }
0x116: {  	[sflag:s11] =	ssyncset.done $0x0  }
0x117: {  	[sflag:s11] =	ssyncadd.s32 $0xFFFFD800  }
0x118: {  	[spmem:s4] =	stream.indirect.scatter.add.f32 [tilespmem:s2], [sflag:$0x9], $0x1, s16, s14, $0xb8;
	[tilespmem:$0x1E578] =	vst v63  }
0x119: {  	_ =	swait.ge [sflag:s11], $0x50  }
0x11a: {  	[sflag:s11] =	ssyncset.done $0x0  }
0x11b: {  	s8 =	simm.s32 @!p1 $0x6;
	[sflag:s11] =	ssyncadd.s32 $0xFFFFFFB0  }
0x11c: {  	_ =	swait.ge @!p1 [sflag:s8], $0x50  }
0x11d: {  	[sflag:s8] =	ssyncset.done @!p1 $0x0  }
0x11e: {  	[sflag:s8] =	ssyncadd.s32 @!p1 $0xFFFFFFB0  }
0x11f: {  	v2 =	vld @!p1 [tilespmem:$0x80];
	_ =	sdelay $0x1  }
0x120: {  	v3 =	vld @!p1 [tilespmem:$0x90];
	_ =	sdelay $0x1  }
0x121: {  	v4 =	vld @!p1 [tilespmem:$0xA0]  }
0x122: {  	v5 =	vand.u32 @!p1 $0xFFFF, v2  }
0x123: {  	v2 =	vshrl.u32 @!p1 v2, $0x10;
	[tilespmem:$0x280] =	vst @!p1 v5;
	v5 =	vld @!p1 [tilespmem:$0xB0]  }
0x124: {  	[tilespmem:$0x480] =	vst @!p1 v2;
	v2 =	vand.u32 @!p1 $0xFFFF, v3  }
0x125: {  	[tilespmem:$0x290] =	vst @!p1 v2;
	v2 =	vshrl.u32 @!p1 v3, $0x10;
	v3 =	vld @!p1 [tilespmem:$0xC0]  }
0x126: {  	[tilespmem:$0x490] =	vst @!p1 v2;
	v2 =	vand.u32 @!p1 $0xFFFF, v4  }
0x127: {  	[tilespmem:$0x2A0] =	vst @!p1 v2;
	v2 =	vshrl.u32 @!p1 v4, $0x10  }
0x128: {  	[tilespmem:$0x4A0] =	vst @!p1 v2;
	v2 =	vand.u32 @!p1 $0xFFFF, v5  }
0x129: {  	[tilespmem:$0x2B0] =	vst @!p1 v2;
	v2 =	vshrl.u32 @!p1 v5, $0x10  }
0x12a: {  	p2 =	sgt.u32 @!p1 s28, $0x1C;
	[tilespmem:$0x4B0] =	vst @!p1 v2;
	v2 =	vand.u32 @!p1 $0xFFFF, v3  }
0x12b: {  	p2 =	por p2, p1;
	[tilespmem:$0x2C0] =	vst @!p1 v2;
	v2 =	vshrl.u32 @!p1 v3, $0x10  }
0x12c: {  	s10 =	simm.s32 @!p1 $0x280;
	s12 =	simm.s32 @!p1 $0x2E00;
	s8 =	simm.s32 @!p1 $0x50;
	[tilespmem:$0x4C0] =	vst @!p1 v2  }
0x12d: {  	[tilespmem:s12], [sflag:$0x2] =	stream.indirect.gather @!p1 [hbm4b:s0+s8], $0x80, s10, s8, $0xb8;
	[tilespmem:$0x1E578] =	vst v63  }
0x12e: {  	s15 =	simm.s32 @!p2 $0x80;
	s12 =	sadd.s32 @!p2 s25, s19;
	s10 =	simm.s32 @!p2 $0x0  }
0x12f: {  	[tilespmem:s15], [sflag:$0x6] =	stream.linear.gather @!p2 [hbm4b:s12+s10], $0x50, $0x38;
	[tilespmem:$0x1E578] =	vst v63  }
0x130: {  	_ =	swait.ge [sflag:s22], $0x2800  }
0x131: {  	[sflag:s22] =	ssyncset.done $0x0  }
0x132: {  	[sflag:s22] =	ssyncadd.s32 $0xFFFFD800  }
0x133: {  	[spmem:s3] =	stream.indirect.scatter.add.f32 [tilespmem:s29], [sflag:$0x9], $0x80, s24, s14, $0xb8;
	[tilespmem:$0x1E578] =	vst v63  }
0x134: {  	_ =	swait.ge [sflag:s11], $0x2800  }
0x135: {  	[sflag:s11] =	ssyncset.done $0x0  }
0x136: {  	[sflag:s11] =	ssyncadd.s32 $0xFFFFD800  }
0x137: {  	[spmem:s4] =	stream.indirect.scatter.add.f32 [tilespmem:s2], [sflag:$0x9], $0x1, s24, s14, $0xb8;
	[tilespmem:$0x1E578] =	vst v63  }
0x138: {  	_ =	swait.ge [sflag:s11], $0x50  }
0x139: {  	[sflag:s11] =	ssyncset.done $0x0  }
0x13a: {  	s12 =	simm.s32 @!p1 $0x7;
	[sflag:s11] =	ssyncadd.s32 $0xFFFFFFB0  }
0x13b: {  	_ =	swait.ge @!p1 [sflag:s12], $0x50  }
0x13c: {  	[sflag:s12] =	ssyncset.done @!p1 $0x0  }
0x13d: {  	[sflag:s12] =	ssyncadd.s32 @!p1 $0xFFFFFFB0  }
0x13e: {  	v2 =	vld @!p1 [tilespmem:$0x100];
	_ =	sdelay $0x1  }
0x13f: {  	v3 =	vld @!p1 [tilespmem:$0x110];
	_ =	sdelay $0x1  }
0x140: {  	v4 =	vld @!p1 [tilespmem:$0x120]  }
0x141: {  	v5 =	vand.u32 @!p1 $0xFFFF, v2  }
0x142: {  	v2 =	vshrl.u32 @!p1 v2, $0x10;
	[tilespmem:$0x300] =	vst @!p1 v5;
	v5 =	vld @!p1 [tilespmem:$0x130]  }
0x143: {  	[tilespmem:$0x500] =	vst @!p1 v2;
	v2 =	vand.u32 @!p1 $0xFFFF, v3  }
0x144: {  	[tilespmem:$0x310] =	vst @!p1 v2;
	v2 =	vshrl.u32 @!p1 v3, $0x10;
	v3 =	vld @!p1 [tilespmem:$0x140]  }
0x145: {  	[tilespmem:$0x510] =	vst @!p1 v2;
	v2 =	vand.u32 @!p1 $0xFFFF, v4  }
0x146: {  	[tilespmem:$0x320] =	vst @!p1 v2;
	v2 =	vshrl.u32 @!p1 v4, $0x10  }
0x147: {  	[tilespmem:$0x520] =	vst @!p1 v2;
	v2 =	vand.u32 @!p1 $0xFFFF, v5  }
0x148: {  	[tilespmem:$0x330] =	vst @!p1 v2;
	v2 =	vshrl.u32 @!p1 v5, $0x10  }
0x149: {  	[tilespmem:$0x530] =	vst @!p1 v2;
	v2 =	vand.u32 @!p1 $0xFFFF, v3  }
0x14a: {  	[tilespmem:$0x340] =	vst @!p1 v2;
	v2 =	vshrl.u32 @!p1 v3, $0x10  }
0x14b: {  	s15 =	simm.s32 @!p1 $0x5600;
	s12 =	simm.s32 @!p1 $0x300;
	[tilespmem:$0x540] =	vst @!p1 v2  }
0x14c: {  	[tilespmem:s15], [sflag:$0x3] =	stream.indirect.gather @!p1 [hbm4b:s0+s8], $0x80, s12, s8, $0xb8;
	[tilespmem:$0x1E578] =	vst v63  }
0x14d: {  	s12 =	sadd.s32 @!p2 s25, s18;
	s15 =	simm.s32 @!p2 $0x100  }
0x14e: {  	[tilespmem:s15], [sflag:$0x7] =	stream.linear.gather @!p2 [hbm4b:s12+s10], $0x50, $0x38;
	[tilespmem:$0x1E578] =	vst v63  }
0x14f: {  	_ =	swait.ge [sflag:s7], $0x2800  }
0x150: {  	[sflag:s7] =	ssyncset.done $0x0  }
0x151: {  	[sflag:s7] =	ssyncadd.s32 $0xFFFFD800  }
0x152: {  	[spmem:s3] =	stream.indirect.scatter.add.f32 [tilespmem:s30], [sflag:$0x9], $0x80, s6, s14, $0xb8;
	[tilespmem:$0x1E578] =	vst v63  }
0x153: {  	_ =	swait.ge [sflag:s11], $0x2800  }
0x154: {  	[sflag:s11] =	ssyncset.done $0x0  }
0x155: {  	[sflag:s11] =	ssyncadd.s32 $0xFFFFD800  }
0x156: {  	[spmem:s4] =	stream.indirect.scatter.add.f32 [tilespmem:s2], [sflag:$0x9], $0x1, s6, s14, $0xb8;
	[tilespmem:$0x1E578] =	vst v63  }
0x157: {  	_ =	swait.ge [sflag:s11], $0x50  }
0x158: {  	[sflag:s11] =	ssyncset.done $0x0  }
0x159: {  	s12 =	simm.s32 @!p1 $0x8;
	[sflag:s11] =	ssyncadd.s32 $0xFFFFFFB0  }
0x15a: {  	_ =	swait.ge @!p1 [sflag:s12], $0x50  }
0x15b: {  	[sflag:s12] =	ssyncset.done @!p1 $0x0  }
0x15c: {  	[sflag:s12] =	ssyncadd.s32 @!p1 $0xFFFFFFB0  }
0x15d: {  	v2 =	vld @!p1 [tilespmem:$0x180];
	_ =	sdelay $0x1  }
0x15e: {  	v3 =	vld @!p1 [tilespmem:$0x190];
	_ =	sdelay $0x1  }
0x15f: {  	v4 =	vld @!p1 [tilespmem:$0x1A0]  }
0x160: {  	v5 =	vand.u32 @!p1 $0xFFFF, v2  }
0x161: {  	v2 =	vshrl.u32 @!p1 v2, $0x10;
	[tilespmem:$0x380] =	vst @!p1 v5;
	v5 =	vld @!p1 [tilespmem:$0x1B0]  }
0x162: {  	[tilespmem:$0x580] =	vst @!p1 v2;
	v2 =	vand.u32 @!p1 $0xFFFF, v3  }
0x163: {  	[tilespmem:$0x390] =	vst @!p1 v2;
	v2 =	vshrl.u32 @!p1 v3, $0x10;
	v3 =	vld @!p1 [tilespmem:$0x1C0]  }
0x164: {  	[tilespmem:$0x590] =	vst @!p1 v2;
	v2 =	vand.u32 @!p1 $0xFFFF, v4  }
0x165: {  	[tilespmem:$0x3A0] =	vst @!p1 v2;
	v2 =	vshrl.u32 @!p1 v4, $0x10  }
0x166: {  	[tilespmem:$0x5A0] =	vst @!p1 v2;
	v2 =	vand.u32 @!p1 $0xFFFF, v5  }
0x167: {  	[tilespmem:$0x3B0] =	vst @!p1 v2;
	v2 =	vshrl.u32 @!p1 v5, $0x10  }
0x168: {  	[tilespmem:$0x5B0] =	vst @!p1 v2;
	v2 =	vand.u32 @!p1 $0xFFFF, v3  }
0x169: {  	[tilespmem:$0x3C0] =	vst @!p1 v2;
	v2 =	vshrl.u32 @!p1 v3, $0x10  }
0x16a: {  	s15 =	simm.s32 @!p1 $0x7E00;
	s12 =	simm.s32 @!p1 $0x380;
	[tilespmem:$0x5C0] =	vst @!p1 v2  }
0x16b: {  	[tilespmem:s15], [sflag:$0x4] =	stream.indirect.gather @!p1 [hbm4b:s0+s8], $0x80, s12, s8, $0xb8;
	[tilespmem:$0x1E578] =	vst v63  }
0x16c: {  	s8 =	sadd.s32 @!p2 s25, s17;
	s12 =	simm.s32 @!p2 $0x180;
	s25 =	sadd.s32 @!p1 $0x28, s25  }
0x16d: {  	[tilespmem:s12], [sflag:$0x8] =	stream.linear.gather @!p2 [hbm4b:s8+s10], $0x50, $0x38;
	[tilespmem:$0x1E578] =	vst v63  }
0x16e: {  	p2 =	sne.s32 @!p1 s25, $0x4D8  }
0x16f: {  	p2 =	por p1, !p2  }
.Ltmp4:
0x170: {  	_ = 	snop;
	(pc) =	sbr.rel @!p2 .LBB2_6-.Ltmp4, $2  }
0x171: {  	_ =	sdelay $0x2  }
0x172: {  	s28 =	sadd.s32 @!p1 $0x1, s28;
	s12 =	simm.s32 $0x2E00  }
0x173: {  	_ =	swait.ge [sflag:s9], $0x2800  }
0x174: {  	[sflag:s9] =	ssyncset.done $0x0  }
0x175: {  	[sflag:s9] =	ssyncadd.s32 $0xFFFFD800  }
0x176: {  	[spmem:s3] =	stream.indirect.scatter.add.f32 [tilespmem:s23], [sflag:$0x9], $0x80, s31, s14, $0xb8;
	[tilespmem:$0x1E578] =	vst v63  }
0x177: {  	_ =	swait.ge [sflag:s11], $0x2800  }
0x178: {  	[sflag:s11] =	ssyncset.done $0x0  }
0x179: {  	[sflag:s11] =	ssyncadd.s32 $0xFFFFD800  }
0x17a: {  	[spmem:s4] =	stream.indirect.scatter.add.f32 [tilespmem:s2], [sflag:$0x9], $0x1, s31, s14, $0xb8;
	[tilespmem:$0x1E578] =	vst v63  }
.Ltmp5:
0x17b: {  	_ =	swait.ge [sflag:s11], $0x50;
	(pc) =	sbr.rel @p0 .LBB2_11-.Ltmp5, $4  }
0x17c: {  	[sflag:s11] =	ssyncset.done $0x0  }
0x17d: {  	[sflag:s11] =	ssyncadd.s32 $0xFFFFFFB0  }
0x17e: {  	[bflag:$0x0] =	sbarrier.arrive $0xFFFF  }
0x17f: {  	s28 =	simm.s32 $0x100;
	s25 =	simm.s32 $0x200;
	s10 =	sld [smem:$0x7FC]  }
0x180: {  	s10 =	rddreg [dreg:$0xb]  }
0x181: {  	[tilespmem:s23], [sflag:$0x9] =	stream.linear.gather [spmem:s10], $0x2800, $0x38;
	[tilespmem:$0x1E578] =	vst v63  }
0x182: {  	_ =	swait.ge [sflag:s11], $0x2800  }
0x183: {  	[sflag:s11] =	ssyncset.done $0x0  }
0x184: {  	s8 =	sadd.s32 $0x0, s21;
	[sflag:s11] =	ssyncadd.s32 $0xFFFFD800  }
0x185: {  	[hbm4b:s8+s5] =	stream.linear.scatter [tilespmem:s23], [sflag:$0x9], $0x2800, $0x38;
	[tilespmem:$0x1E578] =	vst v63  }
0x186: {  	_ =	swait.ge [sflag:s11], $0x2800  }
0x187: {  	s8 =	simm.s32 $0x500;
	[sflag:s11] =	ssyncset.done $0x0  }
.LBB2_9:
0x188: {  	p1 =	sne.s32 s8, $0x3700;
	[sflag:s11] =	ssyncadd.s32 $0xFFFFD800;
	s10 =	sadd.s32 $0x2800, s10  }
0x189: {  	[tilespmem:s23], [sflag:$0x9] =	stream.linear.gather [spmem:s10], $0x2800, $0x38;
	[tilespmem:$0x1E578] =	vst v63  }
0x18a: {  	s12 =	smov.u32 s8;
	s8 =	sadd.s32 $0x500, s8;
	_ =	swait.ge [sflag:s11], $0x2800  }
.Ltmp6:
0x18b: {  	[sflag:s11] =	ssyncset.done $0x0;
	(pc) =	sbr.rel @p1 .LBB2_9-.Ltmp6, $4  }
0x18c: {  	s12 =	sadd.s32 s12, s21;
	[sflag:s11] =	ssyncadd.s32 $0xFFFFD800  }
0x18d: {  	[hbm4b:s12+s5] =	stream.linear.scatter [tilespmem:s23], [sflag:$0x9], $0x2800, $0x38;
	[tilespmem:$0x1E578] =	vst v63  }
0x18e: {  	_ =	swait.ge [sflag:s11], $0x2800  }
0x18f: {  	[sflag:s11] =	ssyncset.done $0x0  }
.Ltmp7:
0x190: {  	_ = 	snop;
	(pc) =	sbr.rel .LBB2_10-.Ltmp7, $1  }
0x191: {  	_ =	sdelay $0x3  }
.LBB2_12:
0x192: {  	_ =	sfence.sel $0x180000  }
0x193: {  	[bflag:$0x0] =	sbarrier.arrive $0xFFFF  }
0x194: {  	_ =	strace $0x90000047  }
0x195: {  	s0 =	stileid.u32;
	[bflag:$0x2] =	sbarrier.arrive $0xFFFF  }
0x196: {  	p0 =	sne.s32 s0, $0x0;
	s0 =	rddreg [dreg:$0x6]  }
0x197: {  	s0 =	sadd.s32 @!p0 $0x100000, s0  }
0x198: {  	[sflag:s0] =	ssyncadd.tile.s32 @!p0 $0x1;
	_ =	shalt  }
.Lfunc_end2:
_tile_overlayer_lowered:
.L_overlay_start_2:
0x199: {  	(tag) =	ssettag $0x2  }
0x19a: {  	s0 =	rddreg [dreg:$0x0];
	s2 =	stileid.u32  }
0x19b: {  	s1 =	rddreg [dreg:$0x1];
	p0 =	sne.s32 s2, $0x0  }
0x19c: {  	s3 =	rddreg [dreg:$0x2];
	[bflag:$0x3] =	sbarrier.arrive $0xFFFF;
	s2 =	simm.s32 @!p0 $0x1C09  }
0x19d: {  	[timem:s3], [sflag:s2] =	dma.local @!p0 [hbm:s0], s1  }
0x19e: {  	s0 =	simm.s32 @!p0 $0x9  }
0x19f: {  	_ =	swait.ge @!p0 [sflag:s0], s1  }
0x1a0: {  	s1 =	ssub.s32 @!p0 $0x0, s1;
	[sflag:s0] =	ssyncset.done @!p0 $0x0  }
0x1a1: {  	[sflag:s0] =	ssyncadd.s32 @!p0 s1  }
0x1a2: {  	[bflag:$0x3] =	sbarrier.arrive $0xFFFF  }
0x1a3: {  	_ =	shalt  }

</sc_bundles>
